<compile_context>
chip_gen: v7x
topology: tpu7x:2x2x1
jax: 0.10.2.dev20260603
libtpu: 0.0.44.dev20260713+nightly
codegen_flags: <defaults>
</compile_context>

<pallas_src>
import functools

import jax
import jax.numpy as jnp
import numpy as np
from jax import lax
from jax.experimental import pallas as pl
from jax.experimental.pallas import tpu as pltpu
from jax.experimental.pallas import tpu_sc as plsc

FR = 5
NPF = 32
TEMP = 10000.0
MM = 1_000_000
BB = 16384
NC, NS = 2, 16
NW = NC * NS
QW = BB // NW
NCOLS = FR * 4 * NPF
QQ = 128



def _pack_perm():
  m = np.zeros((100, 128), np.float32)
  for c in range(4):
    for s in range(4):
      for f in range(FR):
        m[c * 20 + s * 5 + f, s * 32 + f * 4 + c] = 1.0
  for s in range(4):
    for f in range(FR):
      m[80 + s * 5 + f, s * 32 + 20 + f] = 1.0
  return m


def _pack_comb_body(p0, p1, p2, p3, m_ref, perm_ref, comb_ref):
  x = jnp.concatenate([p0[...], p1[...], p2[...], p3[...], m_ref[...]],
                      axis=1)
  comb_ref[...] = lax.dot_general(x, perm_ref[...], (((1,), (0,)), ((), ())),
                                  precision=lax.Precision.HIGHEST,
                                  preferred_element_type=jnp.float32)


def _pack_det_body(d_ref, det2_ref):
  d = d_ref[...]
  z27 = jnp.zeros((d.shape[0], 27), jnp.float32)
  parts = []
  for s in range(4):
    parts += [d[:, s * 5:(s + 1) * 5], z27]
  det2_ref[...] = jnp.concatenate(parts, axis=1)


def _pack_stage(planes, met4, det4):
  perm = jnp.asarray(_pack_perm())
  g = 125
  bm = MM // 4 // g
  comb = pl.pallas_call(
      _pack_comb_body,
      grid=(g,),
      in_specs=[pl.BlockSpec((bm, 20), lambda i: (i, 0)) for _ in range(4)]
      + [
          pl.BlockSpec((bm, 20), lambda i: (i, 0)),
          pl.BlockSpec((100, 128), lambda i: (0, 0)),
      ],
      out_specs=pl.BlockSpec((bm, 128), lambda i: (i, 0)),
      out_shape=jax.ShapeDtypeStruct((MM // 4, 128), jnp.float32),
  )(*planes, met4, perm)
  gd = 16
  bd = BB // 4 // gd
  det2 = pl.pallas_call(
      _pack_det_body,
      grid=(gd,),
      in_specs=[pl.BlockSpec((bd, 20), lambda i: (i, 0))],
      out_specs=pl.BlockSpec((bd, 128), lambda i: (i, 0)),
      out_shape=jax.ShapeDtypeStruct((BB // 4, 128), jnp.float32),
  )(det4)
  return comb, det2



_WC = 2048


def _match_body(q_ref, w_ref, t_ref):
  q = q_ref[...]
  t = jnp.full(q.shape, -1, jnp.int32)
  for c in range(BB // _WC):
    wc = w_ref[0, pl.ds(c * _WC, _WC)][None, :]
    jidx = lax.broadcasted_iota(jnp.int32, (q.shape[0], _WC), 1) + c * _WC
    cand = jnp.where(q == wc, jidx, -1)
    t = jnp.maximum(t, jnp.max(cand, axis=1, keepdims=True))
  t_ref[...] = t


def _match_stage(q2, w2):
  bm = 2048
  return pl.pallas_call(
      _match_body,
      grid=(BB // bm,),
      in_specs=[
          pl.BlockSpec((bm, 1), lambda i: (i, 0)),
          pl.BlockSpec((1, BB), lambda i: (0, 0)),
      ],
      out_specs=pl.BlockSpec((bm, 1), lambda i: (i, 0)),
      out_shape=jax.ShapeDtypeStruct((BB, 1), jnp.int32),
  )(q2, w2)



def _sc_body(comb_hbm, det2_hbm, q_hbm, t_hbm,
             xout_hbm, dout_hbm,
             q_v, t_v, qrow_v, trow_v, xq_v, dq_v, sem):
  cid = lax.axis_index("c")
  sid = lax.axis_index("s")
  wid = sid * NC + cid
  qbase = wid * QW
  pltpu.sync_copy(q_hbm.at[pl.ds(qbase, QW)], q_v)
  pltpu.sync_copy(t_hbm.at[pl.ds(qbase, QW)], t_v)
  for j in range(QW // 16):
    s = pl.ds(j * 16, 16)
    tc = jnp.minimum(jnp.maximum(t_v[s], 0), BB - 1)
    qrow_v[s] = lax.shift_right_logical(q_v[s], 2)
    trow_v[s] = lax.shift_right_logical(tc, 2)
  for b in range(QW // QQ):
    sb = pl.ds(b * QQ, QQ)
    cp_x = pltpu.async_copy(comb_hbm.at[qrow_v.at[sb]], xq_v, sem)
    cp_d = pltpu.async_copy(det2_hbm.at[trow_v.at[sb]], dq_v, sem)
    cp_x.wait()
    pltpu.sync_copy(xq_v, xout_hbm.at[pl.ds(qbase + b * QQ, QQ)])
    cp_d.wait()
    pltpu.sync_copy(dq_v, dout_hbm.at[pl.ds(qbase + b * QQ, QQ)])


@functools.lru_cache(maxsize=None)
def _sc_stage():
  mesh = plsc.VectorSubcoreMesh(core_axis_name="c", subcore_axis_name="s",
                                num_cores=NC, num_subcores=NS)
  return pl.kernel(
      _sc_body,
      out_type=(
          jax.ShapeDtypeStruct((BB, 128), jnp.float32),
          jax.ShapeDtypeStruct((BB, 128), jnp.float32),
      ),
      mesh=mesh,
      scratch_types=[
          pltpu.VMEM((QW,), jnp.int32),
          pltpu.VMEM((QW,), jnp.int32),
          pltpu.VMEM((QW,), jnp.int32),
          pltpu.VMEM((QW,), jnp.int32),
          pltpu.VMEM((QQ, 128), jnp.float32),
          pltpu.VMEM((QQ, 128), jnp.float32),
          pltpu.SemaphoreType.DMA,
      ],
  )



def _sel4(m, a):
  return jnp.where(m == 0, a[:, 0:32],
                   jnp.where(m == 1, a[:, 32:64],
                             jnp.where(m == 2, a[:, 64:96], a[:, 96:128])))


def _tc_body(x_ref, d_ref, q_ref, t_ref, e_ref, t1_ref, coef_ref, shift_ref,
             o_ref):
  q = q_ref[...]
  t = t_ref[...]
  tc = jnp.minimum(jnp.maximum(t, 0), BB - 1)
  x32 = _sel4(q & 3, x_ref[...])
  d32 = _sel4(tc & 3, d_ref[...])
  hit = t >= 0
  dtile = lax.dot_general(d32[:, 0:4], t1_ref[...], (((1,), (0,)), ((), ())),
                          precision=lax.Precision.HIGHEST,
                          preferred_element_type=jnp.float32)
  xsel = jnp.where(hit, dtile, x32[:, 0:20])
  xb = lax.dot_general(xsel, e_ref[...], (((1,), (0,)), ((), ())),
                       precision=lax.Precision.HIGHEST,
                       preferred_element_type=jnp.float32)
  phase = xb * coef_ref[...] - shift_ref[...]
  o_ref[:, pl.ds(0, NCOLS)] = jnp.cos(phase)
  o_ref[:, pl.ds(NCOLS, FR)] = jnp.where(hit, d32[:, 4:5], x32[:, 20:25])


def _tc_consts():
  dim_t = np.float32(TEMP) ** (
      2.0 * np.floor(np.arange(NPF, dtype=np.float32) / 2.0)
      / np.float32(NPF)).astype(np.float32)
  c = np.arange(NCOLS)
  m32 = c % NPF
  m = np.where(m32 < NPF // 2, m32, m32 - NPF // 2)
  coef = (np.float32(2.0 * np.pi) / dim_t[2 * m]).astype(np.float32)
  shift = np.where(m32 < NPF // 2, np.float32(0.0),
                   np.float32(np.pi / 2)).astype(np.float32)
  e = (c // NPF == np.arange(FR * 4)[:, None]).astype(np.float32)
  t1 = (np.arange(FR * 4)[None, :] % 4 == np.arange(4)[:, None]
        ).astype(np.float32)
  return (e, t1, coef.reshape(1, NCOLS), shift.reshape(1, NCOLS))


def _tc_stage(xout, dout, q2, t2):
  e, t1, coef, shift = (jnp.asarray(a) for a in _tc_consts())
  bm = 1024
  return pl.pallas_call(
      _tc_body,
      grid=(BB // bm,),
      in_specs=[
          pl.BlockSpec((bm, 128), lambda i: (i, 0)),
          pl.BlockSpec((bm, 128), lambda i: (i, 0)),
          pl.BlockSpec((bm, 1), lambda i: (i, 0)),
          pl.BlockSpec((bm, 1), lambda i: (i, 0)),
          pl.BlockSpec((FR * 4, NCOLS), lambda i: (0, 0)),
          pl.BlockSpec((4, FR * 4), lambda i: (0, 0)),
          pl.BlockSpec((1, NCOLS), lambda i: (0, 0)),
          pl.BlockSpec((1, NCOLS), lambda i: (0, 0)),
      ],
      out_specs=pl.BlockSpec((bm, NCOLS + FR), lambda i: (i, 0)),
      out_shape=jax.ShapeDtypeStruct((BB, NCOLS + FR), jnp.float32),
  )(xout, dout, q2, t2, e, t1, coef, shift)


def kernel(tracklets, tracklet_metadata, detections, write_indices,
           query_indices):
  w = write_indices.astype(jnp.int32)
  q = query_indices.astype(jnp.int32)
  planes = [tracklets[:, :, c].reshape(MM // 4, 20) for c in range(4)]
  met4 = tracklet_metadata.reshape(MM // 4, 20)
  comb, det2 = _pack_stage(planes, met4, detections.reshape(BB // 4, 20))
  t2 = _match_stage(q.reshape(BB, 1), w.reshape(1, BB))
  xout, dout = _sc_stage()(comb, det2, q, t2.reshape(BB))
  return _tc_stage(xout, dout, q.reshape(BB, 1), t2)

# --- scband reference (transcript-rebuilt; emitter-appended) ---
"""Pipeline reference for scband-kinet-tracking-base2-3908420239663 (READ-ONLY COPY).

The authoritative reference and input builder live on the scoring server;
editing this copy changes nothing except your own understanding.
"""

import jax, jax.numpy as jnp
import numpy as np

FRAME_RANGE = 5
NUM_POS_FEATS = 32
DIM_METADATA = 1
TEMPERATURE = 10000.0
M = 1000000
B = 16384


def sine_encoding_tracklet(x):
    # x: [N, frame_range, 4] in [0,1]
    dim_t = jnp.arange(NUM_POS_FEATS, dtype=jnp.float32)
    dim_t = TEMPERATURE ** (2 * jnp.floor(dim_t / 2) / NUM_POS_FEATS)
    freq = x[:, :, :, None] * jnp.pi * 2 / dim_t  # [N, F, 4, num_pos_feats]
    embed = jnp.concatenate([jnp.cos(freq[:, :, :, 0::2]), jnp.sin(freq[:, :, :, 1::2])], axis=3)
    return embed.reshape(embed.shape[0], -1)  # [N, 4*num_pos_feats*F]


def setup_inputs(seed: int = 0) -> dict:
    key = jax.random.key(seed)
    k1, k2, k3, k4, k5 = jax.random.split(key, 5)
    tracklets = jax.random.uniform(k1, (M, FRAME_RANGE, 4), dtype=jnp.float32)
    tracklet_metadata = jax.random.uniform(k2, (M, FRAME_RANGE, DIM_METADATA), dtype=jnp.float32)
    detections = jax.random.uniform(k3, (B, 5), dtype=jnp.float32)  # [x,y,w,h,conf]
    write_indices = jax.random.randint(k4, (B,), 0, M, dtype=jnp.int64) if jax.config.jax_enable_x64 else jax.random.randint(k4, (B,), 0, M).astype(jnp.int32)
    query_indices = jax.random.randint(k5, (B,), 0, M, dtype=jnp.int64) if jax.config.jax_enable_x64 else jax.random.randint(k5, (B,), 0, M).astype(jnp.int32)
    return {
        "tracklets": tracklets,
        "tracklet_metadata": tracklet_metadata,
        "detections": detections,
        "write_indices": write_indices,
        "query_indices": query_indices,
    }


def reference(tracklets, tracklet_metadata, detections, write_indices, query_indices):
    n = detections.shape[0]
    # generate_pseudo_tracklets: tile detection boxes across frame_range
    pseudo_tracklets = jnp.tile(detections[:, None, :4], (1, FRAME_RANGE, 1))  # [B, F, 4]
    # add_positive_detections_to_tracklets: scatter-overwrite into tracklet memory
    mem = tracklets.at[write_indices].set(pseudo_tracklets)
    meta_vals = jnp.broadcast_to(detections[:, None, 4:4 + DIM_METADATA], (n, FRAME_RANGE, DIM_METADATA))
    meta = tracklet_metadata.at[write_indices].set(meta_vals)
    # update_query_embeddings: gather tracklets + sine-encode
    gathered = mem[query_indices]  # [B, F, 4]
    embed = sine_encoding_tracklet(gathered)  # [B, 4*num_pos_feats*F]
    meta_q = meta[query_indices].reshape(n, -1)  # [B, F*dim_metadata]
    return jnp.concatenate([embed, meta_q], axis=1)

if __name__ == "__main__":
    import jax
    _d = setup_inputs()
    print(jax.jit(kernel)(*tuple(_d.values())))

</pallas_src>

<mosaic_0001>
#map = affine_map<(d0, d1) -> (0, 0)>
#map1 = affine_map<(d0, d1) -> (0)>
module attributes {stable_mosaic.version = 14 : i64} {
  func.func @_sc_body(%arg0: i32, %arg1: i32, %arg2: memref<250000x128xf32, #tpu.memory_space<hbm>>, %arg3: memref<4096x128xf32, #tpu.memory_space<hbm>>, %arg4: memref<16384xi32, #tpu.memory_space<hbm>>, %arg5: memref<16384xi32, #tpu.memory_space<hbm>>, %arg6: memref<16384x128xf32, #tpu.memory_space<hbm>>, %arg7: memref<16384x128xf32, #tpu.memory_space<hbm>>, %arg8: memref<512xi32, #tpu.memory_space<vmem>>, %arg9: memref<512xi32, #tpu.memory_space<vmem>>, %arg10: memref<512xi32, #tpu.memory_space<vmem>>, %arg11: memref<512xi32, #tpu.memory_space<vmem>>, %arg12: memref<128x128xf32, #tpu.memory_space<vmem>>, %arg13: memref<128x128xf32, #tpu.memory_space<vmem>>, %arg14: memref<!tpu.dma_semaphore, #tpu.memory_space<semaphore_mem>>) attributes {dimension_semantics = [#tpu.dimension_semantics<core_parallel>, #tpu.dimension_semantics<subcore_parallel>], iteration_bounds = array<i64: 2, 16>, scalar_prefetch = 0 : i64, scratch_operands = 7 : i64, tpu.core_type = #tpu.core_type<sc_vector_subcore>, window_params = [{transform_indices = #map}, {transform_indices = #map}, {transform_indices = #map1}, {transform_indices = #map1}, {transform_indices = #map}, {transform_indices = #map}]} {
    %mul3A = arith.constant 2 : i32
    %mul3A_0 = arith.muli %arg1, %mul3A : i32
    %add3A = arith.addi %mul3A_0, %arg0 : i32
    %mul3A_1 = arith.constant 512 : i32
    %mul3A_2 = arith.muli %add3A, %mul3A_1 : i32
    "tpu.region"() ({
      %run_scoped3A = tpu.sem_alloc : memref<!tpu.dma_semaphore, #tpu.memory_space<semaphore_mem>>
      %dma_start3A_924 = tpu.memref_slice %arg4[%mul3A_2] : memref<16384xi32, #tpu.memory_space<hbm>> -> memref<512xi32, #tpu.memory_space<hbm>>
      %dma_start3A_925 = tpu.memref_slice %arg4[%mul3A_2] : memref<16384xi32, #tpu.memory_space<hbm>> -> memref<512xi32, #tpu.memory_space<hbm>>
      tpu.enqueue_dma source(%dma_start3A_925 : memref<512xi32, #tpu.memory_space<hbm>>) target(%arg8 : memref<512xi32, #tpu.memory_space<vmem>>) target_semaphore(%run_scoped3A : memref<!tpu.dma_semaphore, #tpu.memory_space<semaphore_mem>>)
      %dma_wait3A_926 = tpu.memref_slice %arg4[%mul3A_2] : memref<16384xi32, #tpu.memory_space<hbm>> -> memref<512xi32, #tpu.memory_space<hbm>>
      %dma_wait3A_927 = tpu.memref_slice %arg4[%mul3A_2] : memref<16384xi32, #tpu.memory_space<hbm>> -> memref<512xi32, #tpu.memory_space<hbm>>
      tpu.wait_dma2 semaphore(%run_scoped3A : memref<!tpu.dma_semaphore, #tpu.memory_space<semaphore_mem>>) src(%dma_wait3A_927 : memref<512xi32, #tpu.memory_space<hbm>>) dst(%arg8 : memref<512xi32, #tpu.memory_space<vmem>>)
      tpu.yield
    }) : () -> ()
    "tpu.region"() ({
      %run_scoped3A = tpu.sem_alloc : memref<!tpu.dma_semaphore, #tpu.memory_space<semaphore_mem>>
      %dma_start3A_924 = tpu.memref_slice %arg5[%mul3A_2] : memref<16384xi32, #tpu.memory_space<hbm>> -> memref<512xi32, #tpu.memory_space<hbm>>
      %dma_start3A_925 = tpu.memref_slice %arg5[%mul3A_2] : memref<16384xi32, #tpu.memory_space<hbm>> -> memref<512xi32, #tpu.memory_space<hbm>>
      tpu.enqueue_dma source(%dma_start3A_925 : memref<512xi32, #tpu.memory_space<hbm>>) target(%arg9 : memref<512xi32, #tpu.memory_space<vmem>>) target_semaphore(%run_scoped3A : memref<!tpu.dma_semaphore, #tpu.memory_space<semaphore_mem>>)
      %dma_wait3A_926 = tpu.memref_slice %arg5[%mul3A_2] : memref<16384xi32, #tpu.memory_space<hbm>> -> memref<512xi32, #tpu.memory_space<hbm>>
      %dma_wait3A_927 = tpu.memref_slice %arg5[%mul3A_2] : memref<16384xi32, #tpu.memory_space<hbm>> -> memref<512xi32, #tpu.memory_space<hbm>>
      tpu.wait_dma2 semaphore(%run_scoped3A : memref<!tpu.dma_semaphore, #tpu.memory_space<semaphore_mem>>) src(%dma_wait3A_927 : memref<512xi32, #tpu.memory_space<hbm>>) dst(%arg9 : memref<512xi32, #tpu.memory_space<vmem>>)
      tpu.yield
    }) : () -> ()
    %get3A = arith.constant 0 : index
    %get3A_3 = tpu.vector_load %arg9[%get3A] {strides = array<i32>} : memref<512xi32, #tpu.memory_space<vmem>>, vector<16xi32>,
    %get3A_4 = vector.shape_cast %get3A_3 : vector<16xi32> to vector<16xi32>
    %max3A = arith.constant 0 : i32
    %max3A_5 = vector.broadcast %max3A : i32 to vector<16xi32>
    %max3A_6 = arith.maxsi %get3A_4, %max3A_5 : vector<16xi32>
    %min3A = arith.constant 16383 : i32
    %min3A_7 = vector.broadcast %min3A : i32 to vector<16xi32>
    %min3A_8 = arith.minsi %max3A_6, %min3A_7 : vector<16xi32>
    %get3A_9 = arith.constant 0 : index
    %get3A_10 = tpu.vector_load %arg8[%get3A_9] {strides = array<i32>} : memref<512xi32, #tpu.memory_space<vmem>>, vector<16xi32>,
    %get3A_11 = vector.shape_cast %get3A_10 : vector<16xi32> to vector<16xi32>
    %shift_right_logical3A = arith.constant 2 : i32
    %shift_right_logical3A_12 = vector.broadcast %shift_right_logical3A : i32 to vector<16xi32>
    %shift_right_logical3A_13 = arith.shrui %get3A_11, %shift_right_logical3A_12 : vector<16xi32>
    %swap3A = arith.constant 0 : index
    %swap3A_14 = tpu.vector_load %arg10[%swap3A] {strides = array<i32>} : memref<512xi32, #tpu.memory_space<vmem>>, vector<16xi32>,
    %swap3A_15 = vector.shape_cast %swap3A_14 : vector<16xi32> to vector<16xi32>
    %swap3A_16 = vector.shape_cast %shift_right_logical3A_13 : vector<16xi32> to vector<16xi32>
    tpu.vector_store %arg10[%swap3A], %swap3A_16 {strides = array<i32>} : memref<512xi32, #tpu.memory_space<vmem>>, vector<16xi32>,
    %shift_right_logical3A_17 = arith.constant 2 : i32
    %shift_right_logical3A_18 = vector.broadcast %shift_right_logical3A_17 : i32 to vector<16xi32>
    %shift_right_logical3A_19 = arith.shrui %min3A_8, %shift_right_logical3A_18 : vector<16xi32>
    %swap3A_20 = arith.constant 0 : index
    %swap3A_21 = tpu.vector_load %arg11[%swap3A_20] {strides = array<i32>} : memref<512xi32, #tpu.memory_space<vmem>>, vector<16xi32>,
    %swap3A_22 = vector.shape_cast %swap3A_21 : vector<16xi32> to vector<16xi32>
    %swap3A_23 = vector.shape_cast %shift_right_logical3A_19 : vector<16xi32> to vector<16xi32>
    tpu.vector_store %arg11[%swap3A_20], %swap3A_23 {strides = array<i32>} : memref<512xi32, #tpu.memory_space<vmem>>, vector<16xi32>,
    %get3A_24 = arith.constant 16 : index
    %get3A_25 = tpu.vector_load %arg9[%get3A_24] {strides = array<i32>} : memref<512xi32, #tpu.memory_space<vmem>>, vector<16xi32>,
    %get3A_26 = vector.shape_cast %get3A_25 : vector<16xi32> to vector<16xi32>
    %max3A_27 = arith.constant 0 : i32
    %max3A_28 = vector.broadcast %max3A_27 : i32 to vector<16xi32>
    %max3A_29 = arith.maxsi %get3A_26, %max3A_28 : vector<16xi32>
    %min3A_30 = arith.constant 16383 : i32
    %min3A_31 = vector.broadcast %min3A_30 : i32 to vector<16xi32>
    %min3A_32 = arith.minsi %max3A_29, %min3A_31 : vector<16xi32>
    %get3A_33 = arith.constant 16 : index
    %get3A_34 = tpu.vector_load %arg8[%get3A_33] {strides = array<i32>} : memref<512xi32, #tpu.memory_space<vmem>>, vector<16xi32>,
    %get3A_35 = vector.shape_cast %get3A_34 : vector<16xi32> to vector<16xi32>
    %shift_right_logical3A_36 = arith.constant 2 : i32
    %shift_right_logical3A_37 = vector.broadcast %shift_right_logical3A_36 : i32 to vector<16xi32>
    %shift_right_logical3A_38 = arith.shrui %get3A_35, %shift_right_logical3A_37 : vector<16xi32>
    %swap3A_39 = arith.constant 16 : index
    %swap3A_40 = tpu.vector_load %arg10[%swap3A_39] {strides = array<i32>} : memref<512xi32, #tpu.memory_space<vmem>>, vector<16xi32>,
    %swap3A_41 = vector.shape_cast %swap3A_40 : vector<16xi32> to vector<16xi32>
    %swap3A_42 = vector.shape_cast %shift_right_logical3A_38 : vector<16xi32> to vector<16xi32>
    tpu.vector_store %arg10[%swap3A_39], %swap3A_42 {strides = array<i32>} : memref<512xi32, #tpu.memory_space<vmem>>, vector<16xi32>,
    %shift_right_logical3A_43 = arith.constant 2 : i32
    %shift_right_logical3A_44 = vector.broadcast %shift_right_logical3A_43 : i32 to vector<16xi32>
    %shift_right_logical3A_45 = arith.shrui %min3A_32, %shift_right_logical3A_44 : vector<16xi32>
    %swap3A_46 = arith.constant 16 : index
    %swap3A_47 = tpu.vector_load %arg11[%swap3A_46] {strides = array<i32>} : memref<512xi32, #tpu.memory_space<vmem>>, vector<16xi32>,
    %swap3A_48 = vector.shape_cast %swap3A_47 : vector<16xi32> to vector<16xi32>
    %swap3A_49 = vector.shape_cast %shift_right_logical3A_45 : vector<16xi32> to vector<16xi32>
    tpu.vector_store %arg11[%swap3A_46], %swap3A_49 {strides = array<i32>} : memref<512xi32, #tpu.memory_space<vmem>>, vector<16xi32>,
    %get3A_50 = arith.constant 32 : index
    %get3A_51 = tpu.vector_load %arg9[%get3A_50] {strides = array<i32>} : memref<512xi32, #tpu.memory_space<vmem>>, vector<16xi32>,
    %get3A_52 = vector.shape_cast %get3A_51 : vector<16xi32> to vector<16xi32>
    %max3A_53 = arith.constant 0 : i32
    %max3A_54 = vector.broadcast %max3A_53 : i32 to vector<16xi32>
    %max3A_55 = arith.maxsi %get3A_52, %max3A_54 : vector<16xi32>
    %min3A_56 = arith.constant 16383 : i32
    %min3A_57 = vector.broadcast %min3A_56 : i32 to vector<16xi32>
    %min3A_58 = arith.minsi %max3A_55, %min3A_57 : vector<16xi32>
    %get3A_59 = arith.constant 32 : index
    %get3A_60 = tpu.vector_load %arg8[%get3A_59] {strides = array<i32>} : memref<512xi32, #tpu.memory_space<vmem>>, vector<16xi32>,
    %get3A_61 = vector.shape_cast %get3A_60 : vector<16xi32> to vector<16xi32>
    %shift_right_logical3A_62 = arith.constant 2 : i32
    %shift_right_logical3A_63 = vector.broadcast %shift_right_logical3A_62 : i32 to vector<16xi32>
    %shift_right_logical3A_64 = arith.shrui %get3A_61, %shift_right_logical3A_63 : vector<16xi32>
    %swap3A_65 = arith.constant 32 : index
    %swap3A_66 = tpu.vector_load %arg10[%swap3A_65] {strides = array<i32>} : memref<512xi32, #tpu.memory_space<vmem>>, vector<16xi32>,
    %swap3A_67 = vector.shape_cast %swap3A_66 : vector<16xi32> to vector<16xi32>
    %swap3A_68 = vector.shape_cast %shift_right_logical3A_64 : vector<16xi32> to vector<16xi32>
    tpu.vector_store %arg10[%swap3A_65], %swap3A_68 {strides = array<i32>} : memref<512xi32, #tpu.memory_space<vmem>>, vector<16xi32>,
    %shift_right_logical3A_69 = arith.constant 2 : i32
    %shift_right_logical3A_70 = vector.broadcast %shift_right_logical3A_69 : i32 to vector<16xi32>
    %shift_right_logical3A_71 = arith.shrui %min3A_58, %shift_right_logical3A_70 : vector<16xi32>
    %swap3A_72 = arith.constant 32 : index
    %swap3A_73 = tpu.vector_load %arg11[%swap3A_72] {strides = array<i32>} : memref<512xi32, #tpu.memory_space<vmem>>, vector<16xi32>,
    %swap3A_74 = vector.shape_cast %swap3A_73 : vector<16xi32> to vector<16xi32>
    %swap3A_75 = vector.shape_cast %shift_right_logical3A_71 : vector<16xi32> to vector<16xi32>
    tpu.vector_store %arg11[%swap3A_72], %swap3A_75 {strides = array<i32>} : memref<512xi32, #tpu.memory_space<vmem>>, vector<16xi32>,
    %get3A_76 = arith.constant 48 : index
    %get3A_77 = tpu.vector_load %arg9[%get3A_76] {strides = array<i32>} : memref<512xi32, #tpu.memory_space<vmem>>, vector<16xi32>,
    %get3A_78 = vector.shape_cast %get3A_77 : vector<16xi32> to vector<16xi32>
    %max3A_79 = arith.constant 0 : i32
    %max3A_80 = vector.broadcast %max3A_79 : i32 to vector<16xi32>
    %max3A_81 = arith.maxsi %get3A_78, %max3A_80 : vector<16xi32>
    %min3A_82 = arith.constant 16383 : i32
    %min3A_83 = vector.broadcast %min3A_82 : i32 to vector<16xi32>
    %min3A_84 = arith.minsi %max3A_81, %min3A_83 : vector<16xi32>
    %get3A_85 = arith.constant 48 : index
    %get3A_86 = tpu.vector_load %arg8[%get3A_85] {strides = array<i32>} : memref<512xi32, #tpu.memory_space<vmem>>, vector<16xi32>,
    %get3A_87 = vector.shape_cast %get3A_86 : vector<16xi32> to vector<16xi32>
    %shift_right_logical3A_88 = arith.constant 2 : i32
    %shift_right_logical3A_89 = vector.broadcast %shift_right_logical3A_88 : i32 to vector<16xi32>
    %shift_right_logical3A_90 = arith.shrui %get3A_87, %shift_right_logical3A_89 : vector<16xi32>
    %swap3A_91 = arith.constant 48 : index
    %swap3A_92 = tpu.vector_load %arg10[%swap3A_91] {strides = array<i32>} : memref<512xi32, #tpu.memory_space<vmem>>, vector<16xi32>,
    %swap3A_93 = vector.shape_cast %swap3A_92 : vector<16xi32> to vector<16xi32>
    %swap3A_94 = vector.shape_cast %shift_right_logical3A_90 : vector<16xi32> to vector<16xi32>
    tpu.vector_store %arg10[%swap3A_91], %swap3A_94 {strides = array<i32>} : memref<512xi32, #tpu.memory_space<vmem>>, vector<16xi32>,
    %shift_right_logical3A_95 = arith.constant 2 : i32
    %shift_right_logical3A_96 = vector.broadcast %shift_right_logical3A_95 : i32 to vector<16xi32>
    %shift_right_logical3A_97 = arith.shrui %min3A_84, %shift_right_logical3A_96 : vector<16xi32>
    %swap3A_98 = arith.constant 48 : index
    %swap3A_99 = tpu.vector_load %arg11[%swap3A_98] {strides = array<i32>} : memref<512xi32, #tpu.memory_space<vmem>>, vector<16xi32>,
    %swap3A_100 = vector.shape_cast %swap3A_99 : vector<16xi32> to vector<16xi32>
    %swap3A_101 = vector.shape_cast %shift_right_logical3A_97 : vector<16xi32> to vector<16xi32>
    tpu.vector_store %arg11[%swap3A_98], %swap3A_101 {strides = array<i32>} : memref<512xi32, #tpu.memory_space<vmem>>, vector<16xi32>,
    %get3A_102 = arith.constant 64 : index
    %get3A_103 = tpu.vector_load %arg9[%get3A_102] {strides = array<i32>} : memref<512xi32, #tpu.memory_space<vmem>>, vector<16xi32>,
    %get3A_104 = vector.shape_cast %get3A_103 : vector<16xi32> to vector<16xi32>
    %max3A_105 = arith.constant 0 : i32
    %max3A_106 = vector.broadcast %max3A_105 : i32 to vector<16xi32>
    %max3A_107 = arith.maxsi %get3A_104, %max3A_106 : vector<16xi32>
    %min3A_108 = arith.constant 16383 : i32
    %min3A_109 = vector.broadcast %min3A_108 : i32 to vector<16xi32>
    %min3A_110 = arith.minsi %max3A_107, %min3A_109 : vector<16xi32>
    %get3A_111 = arith.constant 64 : index
    %get3A_112 = tpu.vector_load %arg8[%get3A_111] {strides = array<i32>} : memref<512xi32, #tpu.memory_space<vmem>>, vector<16xi32>,
    %get3A_113 = vector.shape_cast %get3A_112 : vector<16xi32> to vector<16xi32>
    %shift_right_logical3A_114 = arith.constant 2 : i32
    %shift_right_logical3A_115 = vector.broadcast %shift_right_logical3A_114 : i32 to vector<16xi32>
    %shift_right_logical3A_116 = arith.shrui %get3A_113, %shift_right_logical3A_115 : vector<16xi32>
    %swap3A_117 = arith.constant 64 : index
    %swap3A_118 = tpu.vector_load %arg10[%swap3A_117] {strides = array<i32>} : memref<512xi32, #tpu.memory_space<vmem>>, vector<16xi32>,
    %swap3A_119 = vector.shape_cast %swap3A_118 : vector<16xi32> to vector<16xi32>
    %swap3A_120 = vector.shape_cast %shift_right_logical3A_116 : vector<16xi32> to vector<16xi32>
    tpu.vector_store %arg10[%swap3A_117], %swap3A_120 {strides = array<i32>} : memref<512xi32, #tpu.memory_space<vmem>>, vector<16xi32>,
    %shift_right_logical3A_121 = arith.constant 2 : i32
    %shift_right_logical3A_122 = vector.broadcast %shift_right_logical3A_121 : i32 to vector<16xi32>
    %shift_right_logical3A_123 = arith.shrui %min3A_110, %shift_right_logical3A_122 : vector<16xi32>
    %swap3A_124 = arith.constant 64 : index
    %swap3A_125 = tpu.vector_load %arg11[%swap3A_124] {strides = array<i32>} : memref<512xi32, #tpu.memory_space<vmem>>, vector<16xi32>,
    %swap3A_126 = vector.shape_cast %swap3A_125 : vector<16xi32> to vector<16xi32>
    %swap3A_127 = vector.shape_cast %shift_right_logical3A_123 : vector<16xi32> to vector<16xi32>
    tpu.vector_store %arg11[%swap3A_124], %swap3A_127 {strides = array<i32>} : memref<512xi32, #tpu.memory_space<vmem>>, vector<16xi32>,
    %get3A_128 = arith.constant 80 : index
    %get3A_129 = tpu.vector_load %arg9[%get3A_128] {strides = array<i32>} : memref<512xi32, #tpu.memory_space<vmem>>, vector<16xi32>,
    %get3A_130 = vector.shape_cast %get3A_129 : vector<16xi32> to vector<16xi32>
    %max3A_131 = arith.constant 0 : i32
    %max3A_132 = vector.broadcast %max3A_131 : i32 to vector<16xi32>
    %max3A_133 = arith.maxsi %get3A_130, %max3A_132 : vector<16xi32>
    %min3A_134 = arith.constant 16383 : i32
    %min3A_135 = vector.broadcast %min3A_134 : i32 to vector<16xi32>
    %min3A_136 = arith.minsi %max3A_133, %min3A_135 : vector<16xi32>
    %get3A_137 = arith.constant 80 : index
    %get3A_138 = tpu.vector_load %arg8[%get3A_137] {strides = array<i32>} : memref<512xi32, #tpu.memory_space<vmem>>, vector<16xi32>,
    %get3A_139 = vector.shape_cast %get3A_138 : vector<16xi32> to vector<16xi32>
    %shift_right_logical3A_140 = arith.constant 2 : i32
    %shift_right_logical3A_141 = vector.broadcast %shift_right_logical3A_140 : i32 to vector<16xi32>
    %shift_right_logical3A_142 = arith.shrui %get3A_139, %shift_right_logical3A_141 : vector<16xi32>
    %swap3A_143 = arith.constant 80 : index
    %swap3A_144 = tpu.vector_load %arg10[%swap3A_143] {strides = array<i32>} : memref<512xi32, #tpu.memory_space<vmem>>, vector<16xi32>,
    %swap3A_145 = vector.shape_cast %swap3A_144 : vector<16xi32> to vector<16xi32>
    %swap3A_146 = vector.shape_cast %shift_right_logical3A_142 : vector<16xi32> to vector<16xi32>
    tpu.vector_store %arg10[%swap3A_143], %swap3A_146 {strides = array<i32>} : memref<512xi32, #tpu.memory_space<vmem>>, vector<16xi32>,
    %shift_right_logical3A_147 = arith.constant 2 : i32
    %shift_right_logical3A_148 = vector.broadcast %shift_right_logical3A_147 : i32 to vector<16xi32>
    %shift_right_logical3A_149 = arith.shrui %min3A_136, %shift_right_logical3A_148 : vector<16xi32>
    %swap3A_150 = arith.constant 80 : index
    %swap3A_151 = tpu.vector_load %arg11[%swap3A_150] {strides = array<i32>} : memref<512xi32, #tpu.memory_space<vmem>>, vector<16xi32>,
    %swap3A_152 = vector.shape_cast %swap3A_151 : vector<16xi32> to vector<16xi32>
    %swap3A_153 = vector.shape_cast %shift_right_logical3A_149 : vector<16xi32> to vector<16xi32>
    tpu.vector_store %arg11[%swap3A_150], %swap3A_153 {strides = array<i32>} : memref<512xi32, #tpu.memory_space<vmem>>, vector<16xi32>,
    %get3A_154 = arith.constant 96 : index
    %get3A_155 = tpu.vector_load %arg9[%get3A_154] {strides = array<i32>} : memref<512xi32, #tpu.memory_space<vmem>>, vector<16xi32>,
    %get3A_156 = vector.shape_cast %get3A_155 : vector<16xi32> to vector<16xi32>
    %max3A_157 = arith.constant 0 : i32
    %max3A_158 = vector.broadcast %max3A_157 : i32 to vector<16xi32>
    %max3A_159 = arith.maxsi %get3A_156, %max3A_158 : vector<16xi32>
    %min3A_160 = arith.constant 16383 : i32
    %min3A_161 = vector.broadcast %min3A_160 : i32 to vector<16xi32>
    %min3A_162 = arith.minsi %max3A_159, %min3A_161 : vector<16xi32>
    %get3A_163 = arith.constant 96 : index
    %get3A_164 = tpu.vector_load %arg8[%get3A_163] {strides = array<i32>} : memref<512xi32, #tpu.memory_space<vmem>>, vector<16xi32>,
    %get3A_165 = vector.shape_cast %get3A_164 : vector<16xi32> to vector<16xi32>
    %shift_right_logical3A_166 = arith.constant 2 : i32
    %shift_right_logical3A_167 = vector.broadcast %shift_right_logical3A_166 : i32 to vector<16xi32>
    %shift_right_logical3A_168 = arith.shrui %get3A_165, %shift_right_logical3A_167 : vector<16xi32>
    %swap3A_169 = arith.constant 96 : index
    %swap3A_170 = tpu.vector_load %arg10[%swap3A_169] {strides = array<i32>} : memref<512xi32, #tpu.memory_space<vmem>>, vector<16xi32>,
    %swap3A_171 = vector.shape_cast %swap3A_170 : vector<16xi32> to vector<16xi32>
    %swap3A_172 = vector.shape_cast %shift_right_logical3A_168 : vector<16xi32> to vector<16xi32>
    tpu.vector_store %arg10[%swap3A_169], %swap3A_172 {strides = array<i32>} : memref<512xi32, #tpu.memory_space<vmem>>, vector<16xi32>,
    %shift_right_logical3A_173 = arith.constant 2 : i32
    %shift_right_logical3A_174 = vector.broadcast %shift_right_logical3A_173 : i32 to vector<16xi32>
    %shift_right_logical3A_175 = arith.shrui %min3A_162, %shift_right_logical3A_174 : vector<16xi32>
    %swap3A_176 = arith.constant 96 : index
    %swap3A_177 = tpu.vector_load %arg11[%swap3A_176] {strides = array<i32>} : memref<512xi32, #tpu.memory_space<vmem>>, vector<16xi32>,
    %swap3A_178 = vector.shape_cast %swap3A_177 : vector<16xi32> to vector<16xi32>
    %swap3A_179 = vector.shape_cast %shift_right_logical3A_175 : vector<16xi32> to vector<16xi32>
    tpu.vector_store %arg11[%swap3A_176], %swap3A_179 {strides = array<i32>} : memref<512xi32, #tpu.memory_space<vmem>>, vector<16xi32>,
    %get3A_180 = arith.constant 112 : index
    %get3A_181 = tpu.vector_load %arg9[%get3A_180] {strides = array<i32>} : memref<512xi32, #tpu.memory_space<vmem>>, vector<16xi32>,
    %get3A_182 = vector.shape_cast %get3A_181 : vector<16xi32> to vector<16xi32>
    %max3A_183 = arith.constant 0 : i32
    %max3A_184 = vector.broadcast %max3A_183 : i32 to vector<16xi32>
    %max3A_185 = arith.maxsi %get3A_182, %max3A_184 : vector<16xi32>
    %min3A_186 = arith.constant 16383 : i32
    %min3A_187 = vector.broadcast %min3A_186 : i32 to vector<16xi32>
    %min3A_188 = arith.minsi %max3A_185, %min3A_187 : vector<16xi32>
    %get3A_189 = arith.constant 112 : index
    %get3A_190 = tpu.vector_load %arg8[%get3A_189] {strides = array<i32>} : memref<512xi32, #tpu.memory_space<vmem>>, vector<16xi32>,
    %get3A_191 = vector.shape_cast %get3A_190 : vector<16xi32> to vector<16xi32>
    %shift_right_logical3A_192 = arith.constant 2 : i32
    %shift_right_logical3A_193 = vector.broadcast %shift_right_logical3A_192 : i32 to vector<16xi32>
    %shift_right_logical3A_194 = arith.shrui %get3A_191, %shift_right_logical3A_193 : vector<16xi32>
    %swap3A_195 = arith.constant 112 : index
    %swap3A_196 = tpu.vector_load %arg10[%swap3A_195] {strides = array<i32>} : memref<512xi32, #tpu.memory_space<vmem>>, vector<16xi32>,
    %swap3A_197 = vector.shape_cast %swap3A_196 : vector<16xi32> to vector<16xi32>
    %swap3A_198 = vector.shape_cast %shift_right_logical3A_194 : vector<16xi32> to vector<16xi32>
    tpu.vector_store %arg10[%swap3A_195], %swap3A_198 {strides = array<i32>} : memref<512xi32, #tpu.memory_space<vmem>>, vector<16xi32>,
    %shift_right_logical3A_199 = arith.constant 2 : i32
    %shift_right_logical3A_200 = vector.broadcast %shift_right_logical3A_199 : i32 to vector<16xi32>
    %shift_right_logical3A_201 = arith.shrui %min3A_188, %shift_right_logical3A_200 : vector<16xi32>
    %swap3A_202 = arith.constant 112 : index
    %swap3A_203 = tpu.vector_load %arg11[%swap3A_202] {strides = array<i32>} : memref<512xi32, #tpu.memory_space<vmem>>, vector<16xi32>,
    %swap3A_204 = vector.shape_cast %swap3A_203 : vector<16xi32> to vector<16xi32>
    %swap3A_205 = vector.shape_cast %shift_right_logical3A_201 : vector<16xi32> to vector<16xi32>
    tpu.vector_store %arg11[%swap3A_202], %swap3A_205 {strides = array<i32>} : memref<512xi32, #tpu.memory_space<vmem>>, vector<16xi32>,
    %get3A_206 = arith.constant 128 : index
    %get3A_207 = tpu.vector_load %arg9[%get3A_206] {strides = array<i32>} : memref<512xi32, #tpu.memory_space<vmem>>, vector<16xi32>,
    %get3A_208 = vector.shape_cast %get3A_207 : vector<16xi32> to vector<16xi32>
    %max3A_209 = arith.constant 0 : i32
    %max3A_210 = vector.broadcast %max3A_209 : i32 to vector<16xi32>
    %max3A_211 = arith.maxsi %get3A_208, %max3A_210 : vector<16xi32>
    %min3A_212 = arith.constant 16383 : i32
    %min3A_213 = vector.broadcast %min3A_212 : i32 to vector<16xi32>
    %min3A_214 = arith.minsi %max3A_211, %min3A_213 : vector<16xi32>
    %get3A_215 = arith.constant 128 : index
    %get3A_216 = tpu.vector_load %arg8[%get3A_215] {strides = array<i32>} : memref<512xi32, #tpu.memory_space<vmem>>, vector<16xi32>,
    %get3A_217 = vector.shape_cast %get3A_216 : vector<16xi32> to vector<16xi32>
    %shift_right_logical3A_218 = arith.constant 2 : i32
    %shift_right_logical3A_219 = vector.broadcast %shift_right_logical3A_218 : i32 to vector<16xi32>
    %shift_right_logical3A_220 = arith.shrui %get3A_217, %shift_right_logical3A_219 : vector<16xi32>
    %swap3A_221 = arith.constant 128 : index
    %swap3A_222 = tpu.vector_load %arg10[%swap3A_221] {strides = array<i32>} : memref<512xi32, #tpu.memory_space<vmem>>, vector<16xi32>,
    %swap3A_223 = vector.shape_cast %swap3A_222 : vector<16xi32> to vector<16xi32>
    %swap3A_224 = vector.shape_cast %shift_right_logical3A_220 : vector<16xi32> to vector<16xi32>
    tpu.vector_store %arg10[%swap3A_221], %swap3A_224 {strides = array<i32>} : memref<512xi32, #tpu.memory_space<vmem>>, vector<16xi32>,
    %shift_right_logical3A_225 = arith.constant 2 : i32
    %shift_right_logical3A_226 = vector.broadcast %shift_right_logical3A_225 : i32 to vector<16xi32>
    %shift_right_logical3A_227 = arith.shrui %min3A_214, %shift_right_logical3A_226 : vector<16xi32>
    %swap3A_228 = arith.constant 128 : index
    %swap3A_229 = tpu.vector_load %arg11[%swap3A_228] {strides = array<i32>} : memref<512xi32, #tpu.memory_space<vmem>>, vector<16xi32>,
    %swap3A_230 = vector.shape_cast %swap3A_229 : vector<16xi32> to vector<16xi32>
    %swap3A_231 = vector.shape_cast %shift_right_logical3A_227 : vector<16xi32> to vector<16xi32>
    tpu.vector_store %arg11[%swap3A_228], %swap3A_231 {strides = array<i32>} : memref<512xi32, #tpu.memory_space<vmem>>, vector<16xi32>,
    %get3A_232 = arith.constant 144 : index
    %get3A_233 = tpu.vector_load %arg9[%get3A_232] {strides = array<i32>} : memref<512xi32, #tpu.memory_space<vmem>>, vector<16xi32>,
    %get3A_234 = vector.shape_cast %get3A_233 : vector<16xi32> to vector<16xi32>
    %max3A_235 = arith.constant 0 : i32
    %max3A_236 = vector.broadcast %max3A_235 : i32 to vector<16xi32>
    %max3A_237 = arith.maxsi %get3A_234, %max3A_236 : vector<16xi32>
    %min3A_238 = arith.constant 16383 : i32
    %min3A_239 = vector.broadcast %min3A_238 : i32 to vector<16xi32>
    %min3A_240 = arith.minsi %max3A_237, %min3A_239 : vector<16xi32>
    %get3A_241 = arith.constant 144 : index
    %get3A_242 = tpu.vector_load %arg8[%get3A_241] {strides = array<i32>} : memref<512xi32, #tpu.memory_space<vmem>>, vector<16xi32>,
    %get3A_243 = vector.shape_cast %get3A_242 : vector<16xi32> to vector<16xi32>
    %shift_right_logical3A_244 = arith.constant 2 : i32
    %shift_right_logical3A_245 = vector.broadcast %shift_right_logical3A_244 : i32 to vector<16xi32>
    %shift_right_logical3A_246 = arith.shrui %get3A_243, %shift_right_logical3A_245 : vector<16xi32>
    %swap3A_247 = arith.constant 144 : index
    %swap3A_248 = tpu.vector_load %arg10[%swap3A_247] {strides = array<i32>} : memref<512xi32, #tpu.memory_space<vmem>>, vector<16xi32>,
    %swap3A_249 = vector.shape_cast %swap3A_248 : vector<16xi32> to vector<16xi32>
    %swap3A_250 = vector.shape_cast %shift_right_logical3A_246 : vector<16xi32> to vector<16xi32>
    tpu.vector_store %arg10[%swap3A_247], %swap3A_250 {strides = array<i32>} : memref<512xi32, #tpu.memory_space<vmem>>, vector<16xi32>,
    %shift_right_logical3A_251 = arith.constant 2 : i32
    %shift_right_logical3A_252 = vector.broadcast %shift_right_logical3A_251 : i32 to vector<16xi32>
    %shift_right_logical3A_253 = arith.shrui %min3A_240, %shift_right_logical3A_252 : vector<16xi32>
    %swap3A_254 = arith.constant 144 : index
    %swap3A_255 = tpu.vector_load %arg11[%swap3A_254] {strides = array<i32>} : memref<512xi32, #tpu.memory_space<vmem>>, vector<16xi32>,
    %swap3A_256 = vector.shape_cast %swap3A_255 : vector<16xi32> to vector<16xi32>
    %swap3A_257 = vector.shape_cast %shift_right_logical3A_253 : vector<16xi32> to vector<16xi32>
    tpu.vector_store %arg11[%swap3A_254], %swap3A_257 {strides = array<i32>} : memref<512xi32, #tpu.memory_space<vmem>>, vector<16xi32>,
    %get3A_258 = arith.constant 160 : index
    %get3A_259 = tpu.vector_load %arg9[%get3A_258] {strides = array<i32>} : memref<512xi32, #tpu.memory_space<vmem>>, vector<16xi32>,
    %get3A_260 = vector.shape_cast %get3A_259 : vector<16xi32> to vector<16xi32>
    %max3A_261 = arith.constant 0 : i32
    %max3A_262 = vector.broadcast %max3A_261 : i32 to vector<16xi32>
    %max3A_263 = arith.maxsi %get3A_260, %max3A_262 : vector<16xi32>
    %min3A_264 = arith.constant 16383 : i32
    %min3A_265 = vector.broadcast %min3A_264 : i32 to vector<16xi32>
    %min3A_266 = arith.minsi %max3A_263, %min3A_265 : vector<16xi32>
    %get3A_267 = arith.constant 160 : index
    %get3A_268 = tpu.vector_load %arg8[%get3A_267] {strides = array<i32>} : memref<512xi32, #tpu.memory_space<vmem>>, vector<16xi32>,
    %get3A_269 = vector.shape_cast %get3A_268 : vector<16xi32> to vector<16xi32>
    %shift_right_logical3A_270 = arith.constant 2 : i32
    %shift_right_logical3A_271 = vector.broadcast %shift_right_logical3A_270 : i32 to vector<16xi32>
    %shift_right_logical3A_272 = arith.shrui %get3A_269, %shift_right_logical3A_271 : vector<16xi32>
    %swap3A_273 = arith.constant 160 : index
    %swap3A_274 = tpu.vector_load %arg10[%swap3A_273] {strides = array<i32>} : memref<512xi32, #tpu.memory_space<vmem>>, vector<16xi32>,
    %swap3A_275 = vector.shape_cast %swap3A_274 : vector<16xi32> to vector<16xi32>
    %swap3A_276 = vector.shape_cast %shift_right_logical3A_272 : vector<16xi32> to vector<16xi32>
    tpu.vector_store %arg10[%swap3A_273], %swap3A_276 {strides = array<i32>} : memref<512xi32, #tpu.memory_space<vmem>>, vector<16xi32>,
    %shift_right_logical3A_277 = arith.constant 2 : i32
    %shift_right_logical3A_278 = vector.broadcast %shift_right_logical3A_277 : i32 to vector<16xi32>
    %shift_right_logical3A_279 = arith.shrui %min3A_266, %shift_right_logical3A_278 : vector<16xi32>
    %swap3A_280 = arith.constant 160 : index
    %swap3A_281 = tpu.vector_load %arg11[%swap3A_280] {strides = array<i32>} : memref<512xi32, #tpu.memory_space<vmem>>, vector<16xi32>,
    %swap3A_282 = vector.shape_cast %swap3A_281 : vector<16xi32> to vector<16xi32>
    %swap3A_283 = vector.shape_cast %shift_right_logical3A_279 : vector<16xi32> to vector<16xi32>
    tpu.vector_store %arg11[%swap3A_280], %swap3A_283 {strides = array<i32>} : memref<512xi32, #tpu.memory_space<vmem>>, vector<16xi32>,
    %get3A_284 = arith.constant 176 : index
    %get3A_285 = tpu.vector_load %arg9[%get3A_284] {strides = array<i32>} : memref<512xi32, #tpu.memory_space<vmem>>, vector<16xi32>,
    %get3A_286 = vector.shape_cast %get3A_285 : vector<16xi32> to vector<16xi32>
    %max3A_287 = arith.constant 0 : i32
    %max3A_288 = vector.broadcast %max3A_287 : i32 to vector<16xi32>
    %max3A_289 = arith.maxsi %get3A_286, %max3A_288 : vector<16xi32>
    %min3A_290 = arith.constant 16383 : i32
    %min3A_291 = vector.broadcast %min3A_290 : i32 to vector<16xi32>
    %min3A_292 = arith.minsi %max3A_289, %min3A_291 : vector<16xi32>
    %get3A_293 = arith.constant 176 : index
    %get3A_294 = tpu.vector_load %arg8[%get3A_293] {strides = array<i32>} : memref<512xi32, #tpu.memory_space<vmem>>, vector<16xi32>,
    %get3A_295 = vector.shape_cast %get3A_294 : vector<16xi32> to vector<16xi32>
    %shift_right_logical3A_296 = arith.constant 2 : i32
    %shift_right_logical3A_297 = vector.broadcast %shift_right_logical3A_296 : i32 to vector<16xi32>
    %shift_right_logical3A_298 = arith.shrui %get3A_295, %shift_right_logical3A_297 : vector<16xi32>
    %swap3A_299 = arith.constant 176 : index
    %swap3A_300 = tpu.vector_load %arg10[%swap3A_299] {strides = array<i32>} : memref<512xi32, #tpu.memory_space<vmem>>, vector<16xi32>,
    %swap3A_301 = vector.shape_cast %swap3A_300 : vector<16xi32> to vector<16xi32>
    %swap3A_302 = vector.shape_cast %shift_right_logical3A_298 : vector<16xi32> to vector<16xi32>
    tpu.vector_store %arg10[%swap3A_299], %swap3A_302 {strides = array<i32>} : memref<512xi32, #tpu.memory_space<vmem>>, vector<16xi32>,
    %shift_right_logical3A_303 = arith.constant 2 : i32
    %shift_right_logical3A_304 = vector.broadcast %shift_right_logical3A_303 : i32 to vector<16xi32>
    %shift_right_logical3A_305 = arith.shrui %min3A_292, %shift_right_logical3A_304 : vector<16xi32>
    %swap3A_306 = arith.constant 176 : index
    %swap3A_307 = tpu.vector_load %arg11[%swap3A_306] {strides = array<i32>} : memref<512xi32, #tpu.memory_space<vmem>>, vector<16xi32>,
    %swap3A_308 = vector.shape_cast %swap3A_307 : vector<16xi32> to vector<16xi32>
    %swap3A_309 = vector.shape_cast %shift_right_logical3A_305 : vector<16xi32> to vector<16xi32>
    tpu.vector_store %arg11[%swap3A_306], %swap3A_309 {strides = array<i32>} : memref<512xi32, #tpu.memory_space<vmem>>, vector<16xi32>,
    %get3A_310 = arith.constant 192 : index
    %get3A_311 = tpu.vector_load %arg9[%get3A_310] {strides = array<i32>} : memref<512xi32, #tpu.memory_space<vmem>>, vector<16xi32>,
    %get3A_312 = vector.shape_cast %get3A_311 : vector<16xi32> to vector<16xi32>
    %max3A_313 = arith.constant 0 : i32
    %max3A_314 = vector.broadcast %max3A_313 : i32 to vector<16xi32>
    %max3A_315 = arith.maxsi %get3A_312, %max3A_314 : vector<16xi32>
    %min3A_316 = arith.constant 16383 : i32
    %min3A_317 = vector.broadcast %min3A_316 : i32 to vector<16xi32>
    %min3A_318 = arith.minsi %max3A_315, %min3A_317 : vector<16xi32>
    %get3A_319 = arith.constant 192 : index
    %get3A_320 = tpu.vector_load %arg8[%get3A_319] {strides = array<i32>} : memref<512xi32, #tpu.memory_space<vmem>>, vector<16xi32>,
    %get3A_321 = vector.shape_cast %get3A_320 : vector<16xi32> to vector<16xi32>
    %shift_right_logical3A_322 = arith.constant 2 : i32
    %shift_right_logical3A_323 = vector.broadcast %shift_right_logical3A_322 : i32 to vector<16xi32>
    %shift_right_logical3A_324 = arith.shrui %get3A_321, %shift_right_logical3A_323 : vector<16xi32>
    %swap3A_325 = arith.constant 192 : index
    %swap3A_326 = tpu.vector_load %arg10[%swap3A_325] {strides = array<i32>} : memref<512xi32, #tpu.memory_space<vmem>>, vector<16xi32>,
    %swap3A_327 = vector.shape_cast %swap3A_326 : vector<16xi32> to vector<16xi32>
    %swap3A_328 = vector.shape_cast %shift_right_logical3A_324 : vector<16xi32> to vector<16xi32>
    tpu.vector_store %arg10[%swap3A_325], %swap3A_328 {strides = array<i32>} : memref<512xi32, #tpu.memory_space<vmem>>, vector<16xi32>,
    %shift_right_logical3A_329 = arith.constant 2 : i32
    %shift_right_logical3A_330 = vector.broadcast %shift_right_logical3A_329 : i32 to vector<16xi32>
    %shift_right_logical3A_331 = arith.shrui %min3A_318, %shift_right_logical3A_330 : vector<16xi32>
    %swap3A_332 = arith.constant 192 : index
    %swap3A_333 = tpu.vector_load %arg11[%swap3A_332] {strides = array<i32>} : memref<512xi32, #tpu.memory_space<vmem>>, vector<16xi32>,
    %swap3A_334 = vector.shape_cast %swap3A_333 : vector<16xi32> to vector<16xi32>
    %swap3A_335 = vector.shape_cast %shift_right_logical3A_331 : vector<16xi32> to vector<16xi32>
    tpu.vector_store %arg11[%swap3A_332], %swap3A_335 {strides = array<i32>} : memref<512xi32, #tpu.memory_space<vmem>>, vector<16xi32>,
    %get3A_336 = arith.constant 208 : index
    %get3A_337 = tpu.vector_load %arg9[%get3A_336] {strides = array<i32>} : memref<512xi32, #tpu.memory_space<vmem>>, vector<16xi32>,
    %get3A_338 = vector.shape_cast %get3A_337 : vector<16xi32> to vector<16xi32>
    %max3A_339 = arith.constant 0 : i32
    %max3A_340 = vector.broadcast %max3A_339 : i32 to vector<16xi32>
    %max3A_341 = arith.maxsi %get3A_338, %max3A_340 : vector<16xi32>
    %min3A_342 = arith.constant 16383 : i32
    %min3A_343 = vector.broadcast %min3A_342 : i32 to vector<16xi32>
    %min3A_344 = arith.minsi %max3A_341, %min3A_343 : vector<16xi32>
    %get3A_345 = arith.constant 208 : index
    %get3A_346 = tpu.vector_load %arg8[%get3A_345] {strides = array<i32>} : memref<512xi32, #tpu.memory_space<vmem>>, vector<16xi32>,
    %get3A_347 = vector.shape_cast %get3A_346 : vector<16xi32> to vector<16xi32>
    %shift_right_logical3A_348 = arith.constant 2 : i32
    %shift_right_logical3A_349 = vector.broadcast %shift_right_logical3A_348 : i32 to vector<16xi32>
    %shift_right_logical3A_350 = arith.shrui %get3A_347, %shift_right_logical3A_349 : vector<16xi32>
    %swap3A_351 = arith.constant 208 : index
    %swap3A_352 = tpu.vector_load %arg10[%swap3A_351] {strides = array<i32>} : memref<512xi32, #tpu.memory_space<vmem>>, vector<16xi32>,
    %swap3A_353 = vector.shape_cast %swap3A_352 : vector<16xi32> to vector<16xi32>
    %swap3A_354 = vector.shape_cast %shift_right_logical3A_350 : vector<16xi32> to vector<16xi32>
    tpu.vector_store %arg10[%swap3A_351], %swap3A_354 {strides = array<i32>} : memref<512xi32, #tpu.memory_space<vmem>>, vector<16xi32>,
    %shift_right_logical3A_355 = arith.constant 2 : i32
    %shift_right_logical3A_356 = vector.broadcast %shift_right_logical3A_355 : i32 to vector<16xi32>
    %shift_right_logical3A_357 = arith.shrui %min3A_344, %shift_right_logical3A_356 : vector<16xi32>
    %swap3A_358 = arith.constant 208 : index
    %swap3A_359 = tpu.vector_load %arg11[%swap3A_358] {strides = array<i32>} : memref<512xi32, #tpu.memory_space<vmem>>, vector<16xi32>,
    %swap3A_360 = vector.shape_cast %swap3A_359 : vector<16xi32> to vector<16xi32>
    %swap3A_361 = vector.shape_cast %shift_right_logical3A_357 : vector<16xi32> to vector<16xi32>
    tpu.vector_store %arg11[%swap3A_358], %swap3A_361 {strides = array<i32>} : memref<512xi32, #tpu.memory_space<vmem>>, vector<16xi32>,
    %get3A_362 = arith.constant 224 : index
    %get3A_363 = tpu.vector_load %arg9[%get3A_362] {strides = array<i32>} : memref<512xi32, #tpu.memory_space<vmem>>, vector<16xi32>,
    %get3A_364 = vector.shape_cast %get3A_363 : vector<16xi32> to vector<16xi32>
    %max3A_365 = arith.constant 0 : i32
    %max3A_366 = vector.broadcast %max3A_365 : i32 to vector<16xi32>
    %max3A_367 = arith.maxsi %get3A_364, %max3A_366 : vector<16xi32>
    %min3A_368 = arith.constant 16383 : i32
    %min3A_369 = vector.broadcast %min3A_368 : i32 to vector<16xi32>
    %min3A_370 = arith.minsi %max3A_367, %min3A_369 : vector<16xi32>
    %get3A_371 = arith.constant 224 : index
    %get3A_372 = tpu.vector_load %arg8[%get3A_371] {strides = array<i32>} : memref<512xi32, #tpu.memory_space<vmem>>, vector<16xi32>,
    %get3A_373 = vector.shape_cast %get3A_372 : vector<16xi32> to vector<16xi32>
    %shift_right_logical3A_374 = arith.constant 2 : i32
    %shift_right_logical3A_375 = vector.broadcast %shift_right_logical3A_374 : i32 to vector<16xi32>
    %shift_right_logical3A_376 = arith.shrui %get3A_373, %shift_right_logical3A_375 : vector<16xi32>
    %swap3A_377 = arith.constant 224 : index
    %swap3A_378 = tpu.vector_load %arg10[%swap3A_377] {strides = array<i32>} : memref<512xi32, #tpu.memory_space<vmem>>, vector<16xi32>,
    %swap3A_379 = vector.shape_cast %swap3A_378 : vector<16xi32> to vector<16xi32>
    %swap3A_380 = vector.shape_cast %shift_right_logical3A_376 : vector<16xi32> to vector<16xi32>
    tpu.vector_store %arg10[%swap3A_377], %swap3A_380 {strides = array<i32>} : memref<512xi32, #tpu.memory_space<vmem>>, vector<16xi32>,
    %shift_right_logical3A_381 = arith.constant 2 : i32
    %shift_right_logical3A_382 = vector.broadcast %shift_right_logical3A_381 : i32 to vector<16xi32>
    %shift_right_logical3A_383 = arith.shrui %min3A_370, %shift_right_logical3A_382 : vector<16xi32>
    %swap3A_384 = arith.constant 224 : index
    %swap3A_385 = tpu.vector_load %arg11[%swap3A_384] {strides = array<i32>} : memref<512xi32, #tpu.memory_space<vmem>>, vector<16xi32>,
    %swap3A_386 = vector.shape_cast %swap3A_385 : vector<16xi32> to vector<16xi32>
    %swap3A_387 = vector.shape_cast %shift_right_logical3A_383 : vector<16xi32> to vector<16xi32>
    tpu.vector_store %arg11[%swap3A_384], %swap3A_387 {strides = array<i32>} : memref<512xi32, #tpu.memory_space<vmem>>, vector<16xi32>,
    %get3A_388 = arith.constant 240 : index
    %get3A_389 = tpu.vector_load %arg9[%get3A_388] {strides = array<i32>} : memref<512xi32, #tpu.memory_space<vmem>>, vector<16xi32>,
    %get3A_390 = vector.shape_cast %get3A_389 : vector<16xi32> to vector<16xi32>
    %max3A_391 = arith.constant 0 : i32
    %max3A_392 = vector.broadcast %max3A_391 : i32 to vector<16xi32>
    %max3A_393 = arith.maxsi %get3A_390, %max3A_392 : vector<16xi32>
    %min3A_394 = arith.constant 16383 : i32
    %min3A_395 = vector.broadcast %min3A_394 : i32 to vector<16xi32>
    %min3A_396 = arith.minsi %max3A_393, %min3A_395 : vector<16xi32>
    %get3A_397 = arith.constant 240 : index
    %get3A_398 = tpu.vector_load %arg8[%get3A_397] {strides = array<i32>} : memref<512xi32, #tpu.memory_space<vmem>>, vector<16xi32>,
    %get3A_399 = vector.shape_cast %get3A_398 : vector<16xi32> to vector<16xi32>
    %shift_right_logical3A_400 = arith.constant 2 : i32
    %shift_right_logical3A_401 = vector.broadcast %shift_right_logical3A_400 : i32 to vector<16xi32>
    %shift_right_logical3A_402 = arith.shrui %get3A_399, %shift_right_logical3A_401 : vector<16xi32>
    %swap3A_403 = arith.constant 240 : index
    %swap3A_404 = tpu.vector_load %arg10[%swap3A_403] {strides = array<i32>} : memref<512xi32, #tpu.memory_space<vmem>>, vector<16xi32>,
    %swap3A_405 = vector.shape_cast %swap3A_404 : vector<16xi32> to vector<16xi32>
    %swap3A_406 = vector.shape_cast %shift_right_logical3A_402 : vector<16xi32> to vector<16xi32>
    tpu.vector_store %arg10[%swap3A_403], %swap3A_406 {strides = array<i32>} : memref<512xi32, #tpu.memory_space<vmem>>, vector<16xi32>,
    %shift_right_logical3A_407 = arith.constant 2 : i32
    %shift_right_logical3A_408 = vector.broadcast %shift_right_logical3A_407 : i32 to vector<16xi32>
    %shift_right_logical3A_409 = arith.shrui %min3A_396, %shift_right_logical3A_408 : vector<16xi32>
    %swap3A_410 = arith.constant 240 : index
    %swap3A_411 = tpu.vector_load %arg11[%swap3A_410] {strides = array<i32>} : memref<512xi32, #tpu.memory_space<vmem>>, vector<16xi32>,
    %swap3A_412 = vector.shape_cast %swap3A_411 : vector<16xi32> to vector<16xi32>
    %swap3A_413 = vector.shape_cast %shift_right_logical3A_409 : vector<16xi32> to vector<16xi32>
    tpu.vector_store %arg11[%swap3A_410], %swap3A_413 {strides = array<i32>} : memref<512xi32, #tpu.memory_space<vmem>>, vector<16xi32>,
    %get3A_414 = arith.constant 256 : index
    %get3A_415 = tpu.vector_load %arg9[%get3A_414] {strides = array<i32>} : memref<512xi32, #tpu.memory_space<vmem>>, vector<16xi32>,
    %get3A_416 = vector.shape_cast %get3A_415 : vector<16xi32> to vector<16xi32>
    %max3A_417 = arith.constant 0 : i32
    %max3A_418 = vector.broadcast %max3A_417 : i32 to vector<16xi32>
    %max3A_419 = arith.maxsi %get3A_416, %max3A_418 : vector<16xi32>
    %min3A_420 = arith.constant 16383 : i32
    %min3A_421 = vector.broadcast %min3A_420 : i32 to vector<16xi32>
    %min3A_422 = arith.minsi %max3A_419, %min3A_421 : vector<16xi32>
    %get3A_423 = arith.constant 256 : index
    %get3A_424 = tpu.vector_load %arg8[%get3A_423] {strides = array<i32>} : memref<512xi32, #tpu.memory_space<vmem>>, vector<16xi32>,
    %get3A_425 = vector.shape_cast %get3A_424 : vector<16xi32> to vector<16xi32>
    %shift_right_logical3A_426 = arith.constant 2 : i32
    %shift_right_logical3A_427 = vector.broadcast %shift_right_logical3A_426 : i32 to vector<16xi32>
    %shift_right_logical3A_428 = arith.shrui %get3A_425, %shift_right_logical3A_427 : vector<16xi32>
    %swap3A_429 = arith.constant 256 : index
    %swap3A_430 = tpu.vector_load %arg10[%swap3A_429] {strides = array<i32>} : memref<512xi32, #tpu.memory_space<vmem>>, vector<16xi32>,
    %swap3A_431 = vector.shape_cast %swap3A_430 : vector<16xi32> to vector<16xi32>
    %swap3A_432 = vector.shape_cast %shift_right_logical3A_428 : vector<16xi32> to vector<16xi32>
    tpu.vector_store %arg10[%swap3A_429], %swap3A_432 {strides = array<i32>} : memref<512xi32, #tpu.memory_space<vmem>>, vector<16xi32>,
    %shift_right_logical3A_433 = arith.constant 2 : i32
    %shift_right_logical3A_434 = vector.broadcast %shift_right_logical3A_433 : i32 to vector<16xi32>
    %shift_right_logical3A_435 = arith.shrui %min3A_422, %shift_right_logical3A_434 : vector<16xi32>
    %swap3A_436 = arith.constant 256 : index
    %swap3A_437 = tpu.vector_load %arg11[%swap3A_436] {strides = array<i32>} : memref<512xi32, #tpu.memory_space<vmem>>, vector<16xi32>,
    %swap3A_438 = vector.shape_cast %swap3A_437 : vector<16xi32> to vector<16xi32>
    %swap3A_439 = vector.shape_cast %shift_right_logical3A_435 : vector<16xi32> to vector<16xi32>
    tpu.vector_store %arg11[%swap3A_436], %swap3A_439 {strides = array<i32>} : memref<512xi32, #tpu.memory_space<vmem>>, vector<16xi32>,
    %get3A_440 = arith.constant 272 : index
    %get3A_441 = tpu.vector_load %arg9[%get3A_440] {strides = array<i32>} : memref<512xi32, #tpu.memory_space<vmem>>, vector<16xi32>,
    %get3A_442 = vector.shape_cast %get3A_441 : vector<16xi32> to vector<16xi32>
    %max3A_443 = arith.constant 0 : i32
    %max3A_444 = vector.broadcast %max3A_443 : i32 to vector<16xi32>
    %max3A_445 = arith.maxsi %get3A_442, %max3A_444 : vector<16xi32>
    %min3A_446 = arith.constant 16383 : i32
    %min3A_447 = vector.broadcast %min3A_446 : i32 to vector<16xi32>
    %min3A_448 = arith.minsi %max3A_445, %min3A_447 : vector<16xi32>
    %get3A_449 = arith.constant 272 : index
    %get3A_450 = tpu.vector_load %arg8[%get3A_449] {strides = array<i32>} : memref<512xi32, #tpu.memory_space<vmem>>, vector<16xi32>,
    %get3A_451 = vector.shape_cast %get3A_450 : vector<16xi32> to vector<16xi32>
    %shift_right_logical3A_452 = arith.constant 2 : i32
    %shift_right_logical3A_453 = vector.broadcast %shift_right_logical3A_452 : i32 to vector<16xi32>
    %shift_right_logical3A_454 = arith.shrui %get3A_451, %shift_right_logical3A_453 : vector<16xi32>
    %swap3A_455 = arith.constant 272 : index
    %swap3A_456 = tpu.vector_load %arg10[%swap3A_455] {strides = array<i32>} : memref<512xi32, #tpu.memory_space<vmem>>, vector<16xi32>,
    %swap3A_457 = vector.shape_cast %swap3A_456 : vector<16xi32> to vector<16xi32>
    %swap3A_458 = vector.shape_cast %shift_right_logical3A_454 : vector<16xi32> to vector<16xi32>
    tpu.vector_store %arg10[%swap3A_455], %swap3A_458 {strides = array<i32>} : memref<512xi32, #tpu.memory_space<vmem>>, vector<16xi32>,
    %shift_right_logical3A_459 = arith.constant 2 : i32
    %shift_right_logical3A_460 = vector.broadcast %shift_right_logical3A_459 : i32 to vector<16xi32>
    %shift_right_logical3A_461 = arith.shrui %min3A_448, %shift_right_logical3A_460 : vector<16xi32>
    %swap3A_462 = arith.constant 272 : index
    %swap3A_463 = tpu.vector_load %arg11[%swap3A_462] {strides = array<i32>} : memref<512xi32, #tpu.memory_space<vmem>>, vector<16xi32>,
    %swap3A_464 = vector.shape_cast %swap3A_463 : vector<16xi32> to vector<16xi32>
    %swap3A_465 = vector.shape_cast %shift_right_logical3A_461 : vector<16xi32> to vector<16xi32>
    tpu.vector_store %arg11[%swap3A_462], %swap3A_465 {strides = array<i32>} : memref<512xi32, #tpu.memory_space<vmem>>, vector<16xi32>,
    %get3A_466 = arith.constant 288 : index
    %get3A_467 = tpu.vector_load %arg9[%get3A_466] {strides = array<i32>} : memref<512xi32, #tpu.memory_space<vmem>>, vector<16xi32>,
    %get3A_468 = vector.shape_cast %get3A_467 : vector<16xi32> to vector<16xi32>
    %max3A_469 = arith.constant 0 : i32
    %max3A_470 = vector.broadcast %max3A_469 : i32 to vector<16xi32>
    %max3A_471 = arith.maxsi %get3A_468, %max3A_470 : vector<16xi32>
    %min3A_472 = arith.constant 16383 : i32
    %min3A_473 = vector.broadcast %min3A_472 : i32 to vector<16xi32>
    %min3A_474 = arith.minsi %max3A_471, %min3A_473 : vector<16xi32>
    %get3A_475 = arith.constant 288 : index
    %get3A_476 = tpu.vector_load %arg8[%get3A_475] {strides = array<i32>} : memref<512xi32, #tpu.memory_space<vmem>>, vector<16xi32>,
    %get3A_477 = vector.shape_cast %get3A_476 : vector<16xi32> to vector<16xi32>
    %shift_right_logical3A_478 = arith.constant 2 : i32
    %shift_right_logical3A_479 = vector.broadcast %shift_right_logical3A_478 : i32 to vector<16xi32>
    %shift_right_logical3A_480 = arith.shrui %get3A_477, %shift_right_logical3A_479 : vector<16xi32>
    %swap3A_481 = arith.constant 288 : index
    %swap3A_482 = tpu.vector_load %arg10[%swap3A_481] {strides = array<i32>} : memref<512xi32, #tpu.memory_space<vmem>>, vector<16xi32>,
    %swap3A_483 = vector.shape_cast %swap3A_482 : vector<16xi32> to vector<16xi32>
    %swap3A_484 = vector.shape_cast %shift_right_logical3A_480 : vector<16xi32> to vector<16xi32>
    tpu.vector_store %arg10[%swap3A_481], %swap3A_484 {strides = array<i32>} : memref<512xi32, #tpu.memory_space<vmem>>, vector<16xi32>,
    %shift_right_logical3A_485 = arith.constant 2 : i32
    %shift_right_logical3A_486 = vector.broadcast %shift_right_logical3A_485 : i32 to vector<16xi32>
    %shift_right_logical3A_487 = arith.shrui %min3A_474, %shift_right_logical3A_486 : vector<16xi32>
    %swap3A_488 = arith.constant 288 : index
    %swap3A_489 = tpu.vector_load %arg11[%swap3A_488] {strides = array<i32>} : memref<512xi32, #tpu.memory_space<vmem>>, vector<16xi32>,
    %swap3A_490 = vector.shape_cast %swap3A_489 : vector<16xi32> to vector<16xi32>
    %swap3A_491 = vector.shape_cast %shift_right_logical3A_487 : vector<16xi32> to vector<16xi32>
    tpu.vector_store %arg11[%swap3A_488], %swap3A_491 {strides = array<i32>} : memref<512xi32, #tpu.memory_space<vmem>>, vector<16xi32>,
    %get3A_492 = arith.constant 304 : index
    %get3A_493 = tpu.vector_load %arg9[%get3A_492] {strides = array<i32>} : memref<512xi32, #tpu.memory_space<vmem>>, vector<16xi32>,
    %get3A_494 = vector.shape_cast %get3A_493 : vector<16xi32> to vector<16xi32>
    %max3A_495 = arith.constant 0 : i32
    %max3A_496 = vector.broadcast %max3A_495 : i32 to vector<16xi32>
    %max3A_497 = arith.maxsi %get3A_494, %max3A_496 : vector<16xi32>
    %min3A_498 = arith.constant 16383 : i32
    %min3A_499 = vector.broadcast %min3A_498 : i32 to vector<16xi32>
    %min3A_500 = arith.minsi %max3A_497, %min3A_499 : vector<16xi32>
    %get3A_501 = arith.constant 304 : index
    %get3A_502 = tpu.vector_load %arg8[%get3A_501] {strides = array<i32>} : memref<512xi32, #tpu.memory_space<vmem>>, vector<16xi32>,
    %get3A_503 = vector.shape_cast %get3A_502 : vector<16xi32> to vector<16xi32>
    %shift_right_logical3A_504 = arith.constant 2 : i32
    %shift_right_logical3A_505 = vector.broadcast %shift_right_logical3A_504 : i32 to vector<16xi32>
    %shift_right_logical3A_506 = arith.shrui %get3A_503, %shift_right_logical3A_505 : vector<16xi32>
    %swap3A_507 = arith.constant 304 : index
    %swap3A_508 = tpu.vector_load %arg10[%swap3A_507] {strides = array<i32>} : memref<512xi32, #tpu.memory_space<vmem>>, vector<16xi32>,
    %swap3A_509 = vector.shape_cast %swap3A_508 : vector<16xi32> to vector<16xi32>
    %swap3A_510 = vector.shape_cast %shift_right_logical3A_506 : vector<16xi32> to vector<16xi32>
    tpu.vector_store %arg10[%swap3A_507], %swap3A_510 {strides = array<i32>} : memref<512xi32, #tpu.memory_space<vmem>>, vector<16xi32>,
    %shift_right_logical3A_511 = arith.constant 2 : i32
    %shift_right_logical3A_512 = vector.broadcast %shift_right_logical3A_511 : i32 to vector<16xi32>
    %shift_right_logical3A_513 = arith.shrui %min3A_500, %shift_right_logical3A_512 : vector<16xi32>
    %swap3A_514 = arith.constant 304 : index
    %swap3A_515 = tpu.vector_load %arg11[%swap3A_514] {strides = array<i32>} : memref<512xi32, #tpu.memory_space<vmem>>, vector<16xi32>,
    %swap3A_516 = vector.shape_cast %swap3A_515 : vector<16xi32> to vector<16xi32>
    %swap3A_517 = vector.shape_cast %shift_right_logical3A_513 : vector<16xi32> to vector<16xi32>
    tpu.vector_store %arg11[%swap3A_514], %swap3A_517 {strides = array<i32>} : memref<512xi32, #tpu.memory_space<vmem>>, vector<16xi32>,
    %get3A_518 = arith.constant 320 : index
    %get3A_519 = tpu.vector_load %arg9[%get3A_518] {strides = array<i32>} : memref<512xi32, #tpu.memory_space<vmem>>, vector<16xi32>,
    %get3A_520 = vector.shape_cast %get3A_519 : vector<16xi32> to vector<16xi32>
    %max3A_521 = arith.constant 0 : i32
    %max3A_522 = vector.broadcast %max3A_521 : i32 to vector<16xi32>
    %max3A_523 = arith.maxsi %get3A_520, %max3A_522 : vector<16xi32>
    %min3A_524 = arith.constant 16383 : i32
    %min3A_525 = vector.broadcast %min3A_524 : i32 to vector<16xi32>
    %min3A_526 = arith.minsi %max3A_523, %min3A_525 : vector<16xi32>
    %get3A_527 = arith.constant 320 : index
    %get3A_528 = tpu.vector_load %arg8[%get3A_527] {strides = array<i32>} : memref<512xi32, #tpu.memory_space<vmem>>, vector<16xi32>,
    %get3A_529 = vector.shape_cast %get3A_528 : vector<16xi32> to vector<16xi32>
    %shift_right_logical3A_530 = arith.constant 2 : i32
    %shift_right_logical3A_531 = vector.broadcast %shift_right_logical3A_530 : i32 to vector<16xi32>
    %shift_right_logical3A_532 = arith.shrui %get3A_529, %shift_right_logical3A_531 : vector<16xi32>
    %swap3A_533 = arith.constant 320 : index
    %swap3A_534 = tpu.vector_load %arg10[%swap3A_533] {strides = array<i32>} : memref<512xi32, #tpu.memory_space<vmem>>, vector<16xi32>,
    %swap3A_535 = vector.shape_cast %swap3A_534 : vector<16xi32> to vector<16xi32>
    %swap3A_536 = vector.shape_cast %shift_right_logical3A_532 : vector<16xi32> to vector<16xi32>
    tpu.vector_store %arg10[%swap3A_533], %swap3A_536 {strides = array<i32>} : memref<512xi32, #tpu.memory_space<vmem>>, vector<16xi32>,
    %shift_right_logical3A_537 = arith.constant 2 : i32
    %shift_right_logical3A_538 = vector.broadcast %shift_right_logical3A_537 : i32 to vector<16xi32>
    %shift_right_logical3A_539 = arith.shrui %min3A_526, %shift_right_logical3A_538 : vector<16xi32>
    %swap3A_540 = arith.constant 320 : index
    %swap3A_541 = tpu.vector_load %arg11[%swap3A_540] {strides = array<i32>} : memref<512xi32, #tpu.memory_space<vmem>>, vector<16xi32>,
    %swap3A_542 = vector.shape_cast %swap3A_541 : vector<16xi32> to vector<16xi32>
    %swap3A_543 = vector.shape_cast %shift_right_logical3A_539 : vector<16xi32> to vector<16xi32>
    tpu.vector_store %arg11[%swap3A_540], %swap3A_543 {strides = array<i32>} : memref<512xi32, #tpu.memory_space<vmem>>, vector<16xi32>,
    %get3A_544 = arith.constant 336 : index
    %get3A_545 = tpu.vector_load %arg9[%get3A_544] {strides = array<i32>} : memref<512xi32, #tpu.memory_space<vmem>>, vector<16xi32>,
    %get3A_546 = vector.shape_cast %get3A_545 : vector<16xi32> to vector<16xi32>
    %max3A_547 = arith.constant 0 : i32
    %max3A_548 = vector.broadcast %max3A_547 : i32 to vector<16xi32>
    %max3A_549 = arith.maxsi %get3A_546, %max3A_548 : vector<16xi32>
    %min3A_550 = arith.constant 16383 : i32
    %min3A_551 = vector.broadcast %min3A_550 : i32 to vector<16xi32>
    %min3A_552 = arith.minsi %max3A_549, %min3A_551 : vector<16xi32>
    %get3A_553 = arith.constant 336 : index
    %get3A_554 = tpu.vector_load %arg8[%get3A_553] {strides = array<i32>} : memref<512xi32, #tpu.memory_space<vmem>>, vector<16xi32>,
    %get3A_555 = vector.shape_cast %get3A_554 : vector<16xi32> to vector<16xi32>
    %shift_right_logical3A_556 = arith.constant 2 : i32
    %shift_right_logical3A_557 = vector.broadcast %shift_right_logical3A_556 : i32 to vector<16xi32>
    %shift_right_logical3A_558 = arith.shrui %get3A_555, %shift_right_logical3A_557 : vector<16xi32>
    %swap3A_559 = arith.constant 336 : index
    %swap3A_560 = tpu.vector_load %arg10[%swap3A_559] {strides = array<i32>} : memref<512xi32, #tpu.memory_space<vmem>>, vector<16xi32>,
    %swap3A_561 = vector.shape_cast %swap3A_560 : vector<16xi32> to vector<16xi32>
    %swap3A_562 = vector.shape_cast %shift_right_logical3A_558 : vector<16xi32> to vector<16xi32>
    tpu.vector_store %arg10[%swap3A_559], %swap3A_562 {strides = array<i32>} : memref<512xi32, #tpu.memory_space<vmem>>, vector<16xi32>,
    %shift_right_logical3A_563 = arith.constant 2 : i32
    %shift_right_logical3A_564 = vector.broadcast %shift_right_logical3A_563 : i32 to vector<16xi32>
    %shift_right_logical3A_565 = arith.shrui %min3A_552, %shift_right_logical3A_564 : vector<16xi32>
    %swap3A_566 = arith.constant 336 : index
    %swap3A_567 = tpu.vector_load %arg11[%swap3A_566] {strides = array<i32>} : memref<512xi32, #tpu.memory_space<vmem>>, vector<16xi32>,
    %swap3A_568 = vector.shape_cast %swap3A_567 : vector<16xi32> to vector<16xi32>
    %swap3A_569 = vector.shape_cast %shift_right_logical3A_565 : vector<16xi32> to vector<16xi32>
    tpu.vector_store %arg11[%swap3A_566], %swap3A_569 {strides = array<i32>} : memref<512xi32, #tpu.memory_space<vmem>>, vector<16xi32>,
    %get3A_570 = arith.constant 352 : index
    %get3A_571 = tpu.vector_load %arg9[%get3A_570] {strides = array<i32>} : memref<512xi32, #tpu.memory_space<vmem>>, vector<16xi32>,
    %get3A_572 = vector.shape_cast %get3A_571 : vector<16xi32> to vector<16xi32>
    %max3A_573 = arith.constant 0 : i32
    %max3A_574 = vector.broadcast %max3A_573 : i32 to vector<16xi32>
    %max3A_575 = arith.maxsi %get3A_572, %max3A_574 : vector<16xi32>
    %min3A_576 = arith.constant 16383 : i32
    %min3A_577 = vector.broadcast %min3A_576 : i32 to vector<16xi32>
    %min3A_578 = arith.minsi %max3A_575, %min3A_577 : vector<16xi32>
    %get3A_579 = arith.constant 352 : index
    %get3A_580 = tpu.vector_load %arg8[%get3A_579] {strides = array<i32>} : memref<512xi32, #tpu.memory_space<vmem>>, vector<16xi32>,
    %get3A_581 = vector.shape_cast %get3A_580 : vector<16xi32> to vector<16xi32>
    %shift_right_logical3A_582 = arith.constant 2 : i32
    %shift_right_logical3A_583 = vector.broadcast %shift_right_logical3A_582 : i32 to vector<16xi32>
    %shift_right_logical3A_584 = arith.shrui %get3A_581, %shift_right_logical3A_583 : vector<16xi32>
    %swap3A_585 = arith.constant 352 : index
    %swap3A_586 = tpu.vector_load %arg10[%swap3A_585] {strides = array<i32>} : memref<512xi32, #tpu.memory_space<vmem>>, vector<16xi32>,
    %swap3A_587 = vector.shape_cast %swap3A_586 : vector<16xi32> to vector<16xi32>
    %swap3A_588 = vector.shape_cast %shift_right_logical3A_584 : vector<16xi32> to vector<16xi32>
    tpu.vector_store %arg10[%swap3A_585], %swap3A_588 {strides = array<i32>} : memref<512xi32, #tpu.memory_space<vmem>>, vector<16xi32>,
    %shift_right_logical3A_589 = arith.constant 2 : i32
    %shift_right_logical3A_590 = vector.broadcast %shift_right_logical3A_589 : i32 to vector<16xi32>
    %shift_right_logical3A_591 = arith.shrui %min3A_578, %shift_right_logical3A_590 : vector<16xi32>
    %swap3A_592 = arith.constant 352 : index
    %swap3A_593 = tpu.vector_load %arg11[%swap3A_592] {strides = array<i32>} : memref<512xi32, #tpu.memory_space<vmem>>, vector<16xi32>,
    %swap3A_594 = vector.shape_cast %swap3A_593 : vector<16xi32> to vector<16xi32>
    %swap3A_595 = vector.shape_cast %shift_right_logical3A_591 : vector<16xi32> to vector<16xi32>
    tpu.vector_store %arg11[%swap3A_592], %swap3A_595 {strides = array<i32>} : memref<512xi32, #tpu.memory_space<vmem>>, vector<16xi32>,
    %get3A_596 = arith.constant 368 : index
    %get3A_597 = tpu.vector_load %arg9[%get3A_596] {strides = array<i32>} : memref<512xi32, #tpu.memory_space<vmem>>, vector<16xi32>,
    %get3A_598 = vector.shape_cast %get3A_597 : vector<16xi32> to vector<16xi32>
    %max3A_599 = arith.constant 0 : i32
    %max3A_600 = vector.broadcast %max3A_599 : i32 to vector<16xi32>
    %max3A_601 = arith.maxsi %get3A_598, %max3A_600 : vector<16xi32>
    %min3A_602 = arith.constant 16383 : i32
    %min3A_603 = vector.broadcast %min3A_602 : i32 to vector<16xi32>
    %min3A_604 = arith.minsi %max3A_601, %min3A_603 : vector<16xi32>
    %get3A_605 = arith.constant 368 : index
    %get3A_606 = tpu.vector_load %arg8[%get3A_605] {strides = array<i32>} : memref<512xi32, #tpu.memory_space<vmem>>, vector<16xi32>,
    %get3A_607 = vector.shape_cast %get3A_606 : vector<16xi32> to vector<16xi32>
    %shift_right_logical3A_608 = arith.constant 2 : i32
    %shift_right_logical3A_609 = vector.broadcast %shift_right_logical3A_608 : i32 to vector<16xi32>
    %shift_right_logical3A_610 = arith.shrui %get3A_607, %shift_right_logical3A_609 : vector<16xi32>
    %swap3A_611 = arith.constant 368 : index
    %swap3A_612 = tpu.vector_load %arg10[%swap3A_611] {strides = array<i32>} : memref<512xi32, #tpu.memory_space<vmem>>, vector<16xi32>,
    %swap3A_613 = vector.shape_cast %swap3A_612 : vector<16xi32> to vector<16xi32>
    %swap3A_614 = vector.shape_cast %shift_right_logical3A_610 : vector<16xi32> to vector<16xi32>
    tpu.vector_store %arg10[%swap3A_611], %swap3A_614 {strides = array<i32>} : memref<512xi32, #tpu.memory_space<vmem>>, vector<16xi32>,
    %shift_right_logical3A_615 = arith.constant 2 : i32
    %shift_right_logical3A_616 = vector.broadcast %shift_right_logical3A_615 : i32 to vector<16xi32>
    %shift_right_logical3A_617 = arith.shrui %min3A_604, %shift_right_logical3A_616 : vector<16xi32>
    %swap3A_618 = arith.constant 368 : index
    %swap3A_619 = tpu.vector_load %arg11[%swap3A_618] {strides = array<i32>} : memref<512xi32, #tpu.memory_space<vmem>>, vector<16xi32>,
    %swap3A_620 = vector.shape_cast %swap3A_619 : vector<16xi32> to vector<16xi32>
    %swap3A_621 = vector.shape_cast %shift_right_logical3A_617 : vector<16xi32> to vector<16xi32>
    tpu.vector_store %arg11[%swap3A_618], %swap3A_621 {strides = array<i32>} : memref<512xi32, #tpu.memory_space<vmem>>, vector<16xi32>,
    %get3A_622 = arith.constant 384 : index
    %get3A_623 = tpu.vector_load %arg9[%get3A_622] {strides = array<i32>} : memref<512xi32, #tpu.memory_space<vmem>>, vector<16xi32>,
    %get3A_624 = vector.shape_cast %get3A_623 : vector<16xi32> to vector<16xi32>
    %max3A_625 = arith.constant 0 : i32
    %max3A_626 = vector.broadcast %max3A_625 : i32 to vector<16xi32>
    %max3A_627 = arith.maxsi %get3A_624, %max3A_626 : vector<16xi32>
    %min3A_628 = arith.constant 16383 : i32
    %min3A_629 = vector.broadcast %min3A_628 : i32 to vector<16xi32>
    %min3A_630 = arith.minsi %max3A_627, %min3A_629 : vector<16xi32>
    %get3A_631 = arith.constant 384 : index
    %get3A_632 = tpu.vector_load %arg8[%get3A_631] {strides = array<i32>} : memref<512xi32, #tpu.memory_space<vmem>>, vector<16xi32>,
    %get3A_633 = vector.shape_cast %get3A_632 : vector<16xi32> to vector<16xi32>
    %shift_right_logical3A_634 = arith.constant 2 : i32
    %shift_right_logical3A_635 = vector.broadcast %shift_right_logical3A_634 : i32 to vector<16xi32>
    %shift_right_logical3A_636 = arith.shrui %get3A_633, %shift_right_logical3A_635 : vector<16xi32>
    %swap3A_637 = arith.constant 384 : index
    %swap3A_638 = tpu.vector_load %arg10[%swap3A_637] {strides = array<i32>} : memref<512xi32, #tpu.memory_space<vmem>>, vector<16xi32>,
    %swap3A_639 = vector.shape_cast %swap3A_638 : vector<16xi32> to vector<16xi32>
    %swap3A_640 = vector.shape_cast %shift_right_logical3A_636 : vector<16xi32> to vector<16xi32>
    tpu.vector_store %arg10[%swap3A_637], %swap3A_640 {strides = array<i32>} : memref<512xi32, #tpu.memory_space<vmem>>, vector<16xi32>,
    %shift_right_logical3A_641 = arith.constant 2 : i32
    %shift_right_logical3A_642 = vector.broadcast %shift_right_logical3A_641 : i32 to vector<16xi32>
    %shift_right_logical3A_643 = arith.shrui %min3A_630, %shift_right_logical3A_642 : vector<16xi32>
    %swap3A_644 = arith.constant 384 : index
    %swap3A_645 = tpu.vector_load %arg11[%swap3A_644] {strides = array<i32>} : memref<512xi32, #tpu.memory_space<vmem>>, vector<16xi32>,
    %swap3A_646 = vector.shape_cast %swap3A_645 : vector<16xi32> to vector<16xi32>
    %swap3A_647 = vector.shape_cast %shift_right_logical3A_643 : vector<16xi32> to vector<16xi32>
    tpu.vector_store %arg11[%swap3A_644], %swap3A_647 {strides = array<i32>} : memref<512xi32, #tpu.memory_space<vmem>>, vector<16xi32>,
    %get3A_648 = arith.constant 400 : index
    %get3A_649 = tpu.vector_load %arg9[%get3A_648] {strides = array<i32>} : memref<512xi32, #tpu.memory_space<vmem>>, vector<16xi32>,
    %get3A_650 = vector.shape_cast %get3A_649 : vector<16xi32> to vector<16xi32>
    %max3A_651 = arith.constant 0 : i32
    %max3A_652 = vector.broadcast %max3A_651 : i32 to vector<16xi32>
    %max3A_653 = arith.maxsi %get3A_650, %max3A_652 : vector<16xi32>
    %min3A_654 = arith.constant 16383 : i32
    %min3A_655 = vector.broadcast %min3A_654 : i32 to vector<16xi32>
    %min3A_656 = arith.minsi %max3A_653, %min3A_655 : vector<16xi32>
    %get3A_657 = arith.constant 400 : index
    %get3A_658 = tpu.vector_load %arg8[%get3A_657] {strides = array<i32>} : memref<512xi32, #tpu.memory_space<vmem>>, vector<16xi32>,
    %get3A_659 = vector.shape_cast %get3A_658 : vector<16xi32> to vector<16xi32>
    %shift_right_logical3A_660 = arith.constant 2 : i32
    %shift_right_logical3A_661 = vector.broadcast %shift_right_logical3A_660 : i32 to vector<16xi32>
    %shift_right_logical3A_662 = arith.shrui %get3A_659, %shift_right_logical3A_661 : vector<16xi32>
    %swap3A_663 = arith.constant 400 : index
    %swap3A_664 = tpu.vector_load %arg10[%swap3A_663] {strides = array<i32>} : memref<512xi32, #tpu.memory_space<vmem>>, vector<16xi32>,
    %swap3A_665 = vector.shape_cast %swap3A_664 : vector<16xi32> to vector<16xi32>
    %swap3A_666 = vector.shape_cast %shift_right_logical3A_662 : vector<16xi32> to vector<16xi32>
    tpu.vector_store %arg10[%swap3A_663], %swap3A_666 {strides = array<i32>} : memref<512xi32, #tpu.memory_space<vmem>>, vector<16xi32>,
    %shift_right_logical3A_667 = arith.constant 2 : i32
    %shift_right_logical3A_668 = vector.broadcast %shift_right_logical3A_667 : i32 to vector<16xi32>
    %shift_right_logical3A_669 = arith.shrui %min3A_656, %shift_right_logical3A_668 : vector<16xi32>
    %swap3A_670 = arith.constant 400 : index
    %swap3A_671 = tpu.vector_load %arg11[%swap3A_670] {strides = array<i32>} : memref<512xi32, #tpu.memory_space<vmem>>, vector<16xi32>,
    %swap3A_672 = vector.shape_cast %swap3A_671 : vector<16xi32> to vector<16xi32>
    %swap3A_673 = vector.shape_cast %shift_right_logical3A_669 : vector<16xi32> to vector<16xi32>
    tpu.vector_store %arg11[%swap3A_670], %swap3A_673 {strides = array<i32>} : memref<512xi32, #tpu.memory_space<vmem>>, vector<16xi32>,
    %get3A_674 = arith.constant 416 : index
    %get3A_675 = tpu.vector_load %arg9[%get3A_674] {strides = array<i32>} : memref<512xi32, #tpu.memory_space<vmem>>, vector<16xi32>,
    %get3A_676 = vector.shape_cast %get3A_675 : vector<16xi32> to vector<16xi32>
    %max3A_677 = arith.constant 0 : i32
    %max3A_678 = vector.broadcast %max3A_677 : i32 to vector<16xi32>
    %max3A_679 = arith.maxsi %get3A_676, %max3A_678 : vector<16xi32>
    %min3A_680 = arith.constant 16383 : i32
    %min3A_681 = vector.broadcast %min3A_680 : i32 to vector<16xi32>
    %min3A_682 = arith.minsi %max3A_679, %min3A_681 : vector<16xi32>
    %get3A_683 = arith.constant 416 : index
    %get3A_684 = tpu.vector_load %arg8[%get3A_683] {strides = array<i32>} : memref<512xi32, #tpu.memory_space<vmem>>, vector<16xi32>,
    %get3A_685 = vector.shape_cast %get3A_684 : vector<16xi32> to vector<16xi32>
    %shift_right_logical3A_686 = arith.constant 2 : i32
    %shift_right_logical3A_687 = vector.broadcast %shift_right_logical3A_686 : i32 to vector<16xi32>
    %shift_right_logical3A_688 = arith.shrui %get3A_685, %shift_right_logical3A_687 : vector<16xi32>
    %swap3A_689 = arith.constant 416 : index
    %swap3A_690 = tpu.vector_load %arg10[%swap3A_689] {strides = array<i32>} : memref<512xi32, #tpu.memory_space<vmem>>, vector<16xi32>,
    %swap3A_691 = vector.shape_cast %swap3A_690 : vector<16xi32> to vector<16xi32>
    %swap3A_692 = vector.shape_cast %shift_right_logical3A_688 : vector<16xi32> to vector<16xi32>
    tpu.vector_store %arg10[%swap3A_689], %swap3A_692 {strides = array<i32>} : memref<512xi32, #tpu.memory_space<vmem>>, vector<16xi32>,
    %shift_right_logical3A_693 = arith.constant 2 : i32
    %shift_right_logical3A_694 = vector.broadcast %shift_right_logical3A_693 : i32 to vector<16xi32>
    %shift_right_logical3A_695 = arith.shrui %min3A_682, %shift_right_logical3A_694 : vector<16xi32>
    %swap3A_696 = arith.constant 416 : index
    %swap3A_697 = tpu.vector_load %arg11[%swap3A_696] {strides = array<i32>} : memref<512xi32, #tpu.memory_space<vmem>>, vector<16xi32>,
    %swap3A_698 = vector.shape_cast %swap3A_697 : vector<16xi32> to vector<16xi32>
    %swap3A_699 = vector.shape_cast %shift_right_logical3A_695 : vector<16xi32> to vector<16xi32>
    tpu.vector_store %arg11[%swap3A_696], %swap3A_699 {strides = array<i32>} : memref<512xi32, #tpu.memory_space<vmem>>, vector<16xi32>,
    %get3A_700 = arith.constant 432 : index
    %get3A_701 = tpu.vector_load %arg9[%get3A_700] {strides = array<i32>} : memref<512xi32, #tpu.memory_space<vmem>>, vector<16xi32>,
    %get3A_702 = vector.shape_cast %get3A_701 : vector<16xi32> to vector<16xi32>
    %max3A_703 = arith.constant 0 : i32
    %max3A_704 = vector.broadcast %max3A_703 : i32 to vector<16xi32>
    %max3A_705 = arith.maxsi %get3A_702, %max3A_704 : vector<16xi32>
    %min3A_706 = arith.constant 16383 : i32
    %min3A_707 = vector.broadcast %min3A_706 : i32 to vector<16xi32>
    %min3A_708 = arith.minsi %max3A_705, %min3A_707 : vector<16xi32>
    %get3A_709 = arith.constant 432 : index
    %get3A_710 = tpu.vector_load %arg8[%get3A_709] {strides = array<i32>} : memref<512xi32, #tpu.memory_space<vmem>>, vector<16xi32>,
    %get3A_711 = vector.shape_cast %get3A_710 : vector<16xi32> to vector<16xi32>
    %shift_right_logical3A_712 = arith.constant 2 : i32
    %shift_right_logical3A_713 = vector.broadcast %shift_right_logical3A_712 : i32 to vector<16xi32>
    %shift_right_logical3A_714 = arith.shrui %get3A_711, %shift_right_logical3A_713 : vector<16xi32>
    %swap3A_715 = arith.constant 432 : index
    %swap3A_716 = tpu.vector_load %arg10[%swap3A_715] {strides = array<i32>} : memref<512xi32, #tpu.memory_space<vmem>>, vector<16xi32>,
    %swap3A_717 = vector.shape_cast %swap3A_716 : vector<16xi32> to vector<16xi32>
    %swap3A_718 = vector.shape_cast %shift_right_logical3A_714 : vector<16xi32> to vector<16xi32>
    tpu.vector_store %arg10[%swap3A_715], %swap3A_718 {strides = array<i32>} : memref<512xi32, #tpu.memory_space<vmem>>, vector<16xi32>,
    %shift_right_logical3A_719 = arith.constant 2 : i32
    %shift_right_logical3A_720 = vector.broadcast %shift_right_logical3A_719 : i32 to vector<16xi32>
    %shift_right_logical3A_721 = arith.shrui %min3A_708, %shift_right_logical3A_720 : vector<16xi32>
    %swap3A_722 = arith.constant 432 : index
    %swap3A_723 = tpu.vector_load %arg11[%swap3A_722] {strides = array<i32>} : memref<512xi32, #tpu.memory_space<vmem>>, vector<16xi32>,
    %swap3A_724 = vector.shape_cast %swap3A_723 : vector<16xi32> to vector<16xi32>
    %swap3A_725 = vector.shape_cast %shift_right_logical3A_721 : vector<16xi32> to vector<16xi32>
    tpu.vector_store %arg11[%swap3A_722], %swap3A_725 {strides = array<i32>} : memref<512xi32, #tpu.memory_space<vmem>>, vector<16xi32>,
    %get3A_726 = arith.constant 448 : index
    %get3A_727 = tpu.vector_load %arg9[%get3A_726] {strides = array<i32>} : memref<512xi32, #tpu.memory_space<vmem>>, vector<16xi32>,
    %get3A_728 = vector.shape_cast %get3A_727 : vector<16xi32> to vector<16xi32>
    %max3A_729 = arith.constant 0 : i32
    %max3A_730 = vector.broadcast %max3A_729 : i32 to vector<16xi32>
    %max3A_731 = arith.maxsi %get3A_728, %max3A_730 : vector<16xi32>
    %min3A_732 = arith.constant 16383 : i32
    %min3A_733 = vector.broadcast %min3A_732 : i32 to vector<16xi32>
    %min3A_734 = arith.minsi %max3A_731, %min3A_733 : vector<16xi32>
    %get3A_735 = arith.constant 448 : index
    %get3A_736 = tpu.vector_load %arg8[%get3A_735] {strides = array<i32>} : memref<512xi32, #tpu.memory_space<vmem>>, vector<16xi32>,
    %get3A_737 = vector.shape_cast %get3A_736 : vector<16xi32> to vector<16xi32>
    %shift_right_logical3A_738 = arith.constant 2 : i32
    %shift_right_logical3A_739 = vector.broadcast %shift_right_logical3A_738 : i32 to vector<16xi32>
    %shift_right_logical3A_740 = arith.shrui %get3A_737, %shift_right_logical3A_739 : vector<16xi32>
    %swap3A_741 = arith.constant 448 : index
    %swap3A_742 = tpu.vector_load %arg10[%swap3A_741] {strides = array<i32>} : memref<512xi32, #tpu.memory_space<vmem>>, vector<16xi32>,
    %swap3A_743 = vector.shape_cast %swap3A_742 : vector<16xi32> to vector<16xi32>
    %swap3A_744 = vector.shape_cast %shift_right_logical3A_740 : vector<16xi32> to vector<16xi32>
    tpu.vector_store %arg10[%swap3A_741], %swap3A_744 {strides = array<i32>} : memref<512xi32, #tpu.memory_space<vmem>>, vector<16xi32>,
    %shift_right_logical3A_745 = arith.constant 2 : i32
    %shift_right_logical3A_746 = vector.broadcast %shift_right_logical3A_745 : i32 to vector<16xi32>
    %shift_right_logical3A_747 = arith.shrui %min3A_734, %shift_right_logical3A_746 : vector<16xi32>
    %swap3A_748 = arith.constant 448 : index
    %swap3A_749 = tpu.vector_load %arg11[%swap3A_748] {strides = array<i32>} : memref<512xi32, #tpu.memory_space<vmem>>, vector<16xi32>,
    %swap3A_750 = vector.shape_cast %swap3A_749 : vector<16xi32> to vector<16xi32>
    %swap3A_751 = vector.shape_cast %shift_right_logical3A_747 : vector<16xi32> to vector<16xi32>
    tpu.vector_store %arg11[%swap3A_748], %swap3A_751 {strides = array<i32>} : memref<512xi32, #tpu.memory_space<vmem>>, vector<16xi32>,
    %get3A_752 = arith.constant 464 : index
    %get3A_753 = tpu.vector_load %arg9[%get3A_752] {strides = array<i32>} : memref<512xi32, #tpu.memory_space<vmem>>, vector<16xi32>,
    %get3A_754 = vector.shape_cast %get3A_753 : vector<16xi32> to vector<16xi32>
    %max3A_755 = arith.constant 0 : i32
    %max3A_756 = vector.broadcast %max3A_755 : i32 to vector<16xi32>
    %max3A_757 = arith.maxsi %get3A_754, %max3A_756 : vector<16xi32>
    %min3A_758 = arith.constant 16383 : i32
    %min3A_759 = vector.broadcast %min3A_758 : i32 to vector<16xi32>
    %min3A_760 = arith.minsi %max3A_757, %min3A_759 : vector<16xi32>
    %get3A_761 = arith.constant 464 : index
    %get3A_762 = tpu.vector_load %arg8[%get3A_761] {strides = array<i32>} : memref<512xi32, #tpu.memory_space<vmem>>, vector<16xi32>,
    %get3A_763 = vector.shape_cast %get3A_762 : vector<16xi32> to vector<16xi32>
    %shift_right_logical3A_764 = arith.constant 2 : i32
    %shift_right_logical3A_765 = vector.broadcast %shift_right_logical3A_764 : i32 to vector<16xi32>
    %shift_right_logical3A_766 = arith.shrui %get3A_763, %shift_right_logical3A_765 : vector<16xi32>
    %swap3A_767 = arith.constant 464 : index
    %swap3A_768 = tpu.vector_load %arg10[%swap3A_767] {strides = array<i32>} : memref<512xi32, #tpu.memory_space<vmem>>, vector<16xi32>,
    %swap3A_769 = vector.shape_cast %swap3A_768 : vector<16xi32> to vector<16xi32>
    %swap3A_770 = vector.shape_cast %shift_right_logical3A_766 : vector<16xi32> to vector<16xi32>
    tpu.vector_store %arg10[%swap3A_767], %swap3A_770 {strides = array<i32>} : memref<512xi32, #tpu.memory_space<vmem>>, vector<16xi32>,
    %shift_right_logical3A_771 = arith.constant 2 : i32
    %shift_right_logical3A_772 = vector.broadcast %shift_right_logical3A_771 : i32 to vector<16xi32>
    %shift_right_logical3A_773 = arith.shrui %min3A_760, %shift_right_logical3A_772 : vector<16xi32>
    %swap3A_774 = arith.constant 464 : index
    %swap3A_775 = tpu.vector_load %arg11[%swap3A_774] {strides = array<i32>} : memref<512xi32, #tpu.memory_space<vmem>>, vector<16xi32>,
    %swap3A_776 = vector.shape_cast %swap3A_775 : vector<16xi32> to vector<16xi32>
    %swap3A_777 = vector.shape_cast %shift_right_logical3A_773 : vector<16xi32> to vector<16xi32>
    tpu.vector_store %arg11[%swap3A_774], %swap3A_777 {strides = array<i32>} : memref<512xi32, #tpu.memory_space<vmem>>, vector<16xi32>,
    %get3A_778 = arith.constant 480 : index
    %get3A_779 = tpu.vector_load %arg9[%get3A_778] {strides = array<i32>} : memref<512xi32, #tpu.memory_space<vmem>>, vector<16xi32>,
    %get3A_780 = vector.shape_cast %get3A_779 : vector<16xi32> to vector<16xi32>
    %max3A_781 = arith.constant 0 : i32
    %max3A_782 = vector.broadcast %max3A_781 : i32 to vector<16xi32>
    %max3A_783 = arith.maxsi %get3A_780, %max3A_782 : vector<16xi32>
    %min3A_784 = arith.constant 16383 : i32
    %min3A_785 = vector.broadcast %min3A_784 : i32 to vector<16xi32>
    %min3A_786 = arith.minsi %max3A_783, %min3A_785 : vector<16xi32>
    %get3A_787 = arith.constant 480 : index
    %get3A_788 = tpu.vector_load %arg8[%get3A_787] {strides = array<i32>} : memref<512xi32, #tpu.memory_space<vmem>>, vector<16xi32>,
    %get3A_789 = vector.shape_cast %get3A_788 : vector<16xi32> to vector<16xi32>
    %shift_right_logical3A_790 = arith.constant 2 : i32
    %shift_right_logical3A_791 = vector.broadcast %shift_right_logical3A_790 : i32 to vector<16xi32>
    %shift_right_logical3A_792 = arith.shrui %get3A_789, %shift_right_logical3A_791 : vector<16xi32>
    %swap3A_793 = arith.constant 480 : index
    %swap3A_794 = tpu.vector_load %arg10[%swap3A_793] {strides = array<i32>} : memref<512xi32, #tpu.memory_space<vmem>>, vector<16xi32>,
    %swap3A_795 = vector.shape_cast %swap3A_794 : vector<16xi32> to vector<16xi32>
    %swap3A_796 = vector.shape_cast %shift_right_logical3A_792 : vector<16xi32> to vector<16xi32>
    tpu.vector_store %arg10[%swap3A_793], %swap3A_796 {strides = array<i32>} : memref<512xi32, #tpu.memory_space<vmem>>, vector<16xi32>,
    %shift_right_logical3A_797 = arith.constant 2 : i32
    %shift_right_logical3A_798 = vector.broadcast %shift_right_logical3A_797 : i32 to vector<16xi32>
    %shift_right_logical3A_799 = arith.shrui %min3A_786, %shift_right_logical3A_798 : vector<16xi32>
    %swap3A_800 = arith.constant 480 : index
    %swap3A_801 = tpu.vector_load %arg11[%swap3A_800] {strides = array<i32>} : memref<512xi32, #tpu.memory_space<vmem>>, vector<16xi32>,
    %swap3A_802 = vector.shape_cast %swap3A_801 : vector<16xi32> to vector<16xi32>
    %swap3A_803 = vector.shape_cast %shift_right_logical3A_799 : vector<16xi32> to vector<16xi32>
    tpu.vector_store %arg11[%swap3A_800], %swap3A_803 {strides = array<i32>} : memref<512xi32, #tpu.memory_space<vmem>>, vector<16xi32>,
    %get3A_804 = arith.constant 496 : index
    %get3A_805 = tpu.vector_load %arg9[%get3A_804] {strides = array<i32>} : memref<512xi32, #tpu.memory_space<vmem>>, vector<16xi32>,
    %get3A_806 = vector.shape_cast %get3A_805 : vector<16xi32> to vector<16xi32>
    %max3A_807 = arith.constant 0 : i32
    %max3A_808 = vector.broadcast %max3A_807 : i32 to vector<16xi32>
    %max3A_809 = arith.maxsi %get3A_806, %max3A_808 : vector<16xi32>
    %min3A_810 = arith.constant 16383 : i32
    %min3A_811 = vector.broadcast %min3A_810 : i32 to vector<16xi32>
    %min3A_812 = arith.minsi %max3A_809, %min3A_811 : vector<16xi32>
    %get3A_813 = arith.constant 496 : index
    %get3A_814 = tpu.vector_load %arg8[%get3A_813] {strides = array<i32>} : memref<512xi32, #tpu.memory_space<vmem>>, vector<16xi32>,
    %get3A_815 = vector.shape_cast %get3A_814 : vector<16xi32> to vector<16xi32>
    %shift_right_logical3A_816 = arith.constant 2 : i32
    %shift_right_logical3A_817 = vector.broadcast %shift_right_logical3A_816 : i32 to vector<16xi32>
    %shift_right_logical3A_818 = arith.shrui %get3A_815, %shift_right_logical3A_817 : vector<16xi32>
    %swap3A_819 = arith.constant 496 : index
    %swap3A_820 = tpu.vector_load %arg10[%swap3A_819] {strides = array<i32>} : memref<512xi32, #tpu.memory_space<vmem>>, vector<16xi32>,
    %swap3A_821 = vector.shape_cast %swap3A_820 : vector<16xi32> to vector<16xi32>
    %swap3A_822 = vector.shape_cast %shift_right_logical3A_818 : vector<16xi32> to vector<16xi32>
    tpu.vector_store %arg10[%swap3A_819], %swap3A_822 {strides = array<i32>} : memref<512xi32, #tpu.memory_space<vmem>>, vector<16xi32>,
    %shift_right_logical3A_823 = arith.constant 2 : i32
    %shift_right_logical3A_824 = vector.broadcast %shift_right_logical3A_823 : i32 to vector<16xi32>
    %shift_right_logical3A_825 = arith.shrui %min3A_812, %shift_right_logical3A_824 : vector<16xi32>
    %swap3A_826 = arith.constant 496 : index
    %swap3A_827 = tpu.vector_load %arg11[%swap3A_826] {strides = array<i32>} : memref<512xi32, #tpu.memory_space<vmem>>, vector<16xi32>,
    %swap3A_828 = vector.shape_cast %swap3A_827 : vector<16xi32> to vector<16xi32>
    %swap3A_829 = vector.shape_cast %shift_right_logical3A_825 : vector<16xi32> to vector<16xi32>
    tpu.vector_store %arg11[%swap3A_826], %swap3A_829 {strides = array<i32>} : memref<512xi32, #tpu.memory_space<vmem>>, vector<16xi32>,
    %dma_start3A = arith.constant 0 : i32
    %dma_start3A_830 = tpu.memref_slice %arg10[%dma_start3A] : memref<512xi32, #tpu.memory_space<vmem>> -> memref<128xi32, #tpu.memory_space<vmem>>
    %dma_start3A_831 = arith.constant 0 : i32
    %dma_start3A_832 = arith.constant 0 : i32
    %dma_start3A_833 = tpu.memref_slice %arg2[%dma_start3A_831, %dma_start3A_832] : memref<250000x128xf32, #tpu.memory_space<hbm>> -> memref<250000x128xf32, #tpu.memory_space<hbm>>
    tpu.enqueue_indirect_dma source(%dma_start3A_833 : memref<250000x128xf32, #tpu.memory_space<hbm>>) target(%arg12 : memref<128x128xf32, #tpu.memory_space<vmem>>) offsets(%dma_start3A_830 : memref<128xi32, #tpu.memory_space<vmem>>) semaphore(%arg14 : memref<!tpu.dma_semaphore, #tpu.memory_space<semaphore_mem>>)
    %dma_start3A_834 = arith.constant 0 : i32
    %dma_start3A_835 = tpu.memref_slice %arg11[%dma_start3A_834] : memref<512xi32, #tpu.memory_space<vmem>> -> memref<128xi32, #tpu.memory_space<vmem>>
    %dma_start3A_836 = arith.constant 0 : i32
    %dma_start3A_837 = arith.constant 0 : i32
    %dma_start3A_838 = tpu.memref_slice %arg3[%dma_start3A_836, %dma_start3A_837] : memref<4096x128xf32, #tpu.memory_space<hbm>> -> memref<4096x128xf32, #tpu.memory_space<hbm>>
    tpu.enqueue_indirect_dma source(%dma_start3A_838 : memref<4096x128xf32, #tpu.memory_space<hbm>>) target(%arg13 : memref<128x128xf32, #tpu.memory_space<vmem>>) offsets(%dma_start3A_835 : memref<128xi32, #tpu.memory_space<vmem>>) semaphore(%arg14 : memref<!tpu.dma_semaphore, #tpu.memory_space<semaphore_mem>>)
    %dma_wait3A = arith.constant 0 : i32
    %dma_wait3A_839 = tpu.memref_slice %arg10[%dma_wait3A] : memref<512xi32, #tpu.memory_space<vmem>> -> memref<128xi32, #tpu.memory_space<vmem>>
    %dma_wait3A_840 = arith.constant 0 : i32
    %dma_wait3A_841 = arith.constant 0 : i32
    %dma_wait3A_842 = tpu.memref_slice %arg2[%dma_wait3A_840, %dma_wait3A_841] : memref<250000x128xf32, #tpu.memory_space<hbm>> -> memref<250000x128xf32, #tpu.memory_space<hbm>>
    tpu.wait_indirect_dma semaphore(%arg14 : memref<!tpu.dma_semaphore, #tpu.memory_space<semaphore_mem>>) src(%dma_wait3A_842 : memref<250000x128xf32, #tpu.memory_space<hbm>>) dst(%arg12 : memref<128x128xf32, #tpu.memory_space<vmem>>)
    %add3A_843 = arith.constant 0 : i32
    %add3A_844 = arith.addi %mul3A_2, %add3A_843 : i32
    "tpu.region"() ({
      %run_scoped3A = tpu.sem_alloc : memref<!tpu.dma_semaphore, #tpu.memory_space<semaphore_mem>>
      %dma_start3A_924 = arith.constant 0 : i32
      %dma_start3A_925 = tpu.memref_slice %arg6[%add3A_844, %dma_start3A_924] : memref<16384x128xf32, #tpu.memory_space<hbm>> -> memref<128x128xf32, #tpu.memory_space<hbm>>
      %dma_start3A_926 = arith.constant 0 : i32
      %dma_start3A_927 = tpu.memref_slice %arg6[%add3A_844, %dma_start3A_926] : memref<16384x128xf32, #tpu.memory_space<hbm>> -> memref<128x128xf32, #tpu.memory_space<hbm>>
      tpu.enqueue_dma source(%arg12 : memref<128x128xf32, #tpu.memory_space<vmem>>) target(%dma_start3A_927 : memref<128x128xf32, #tpu.memory_space<hbm>>) target_semaphore(%run_scoped3A : memref<!tpu.dma_semaphore, #tpu.memory_space<semaphore_mem>>)
      %dma_wait3A_928 = arith.constant 0 : i32
      %dma_wait3A_929 = tpu.memref_slice %arg6[%add3A_844, %dma_wait3A_928] : memref<16384x128xf32, #tpu.memory_space<hbm>> -> memref<128x128xf32, #tpu.memory_space<hbm>>
      %dma_wait3A_930 = arith.constant 0 : i32
      %dma_wait3A_931 = tpu.memref_slice %arg6[%add3A_844, %dma_wait3A_930] : memref<16384x128xf32, #tpu.memory_space<hbm>> -> memref<128x128xf32, #tpu.memory_space<hbm>>
      tpu.wait_dma2 semaphore(%run_scoped3A : memref<!tpu.dma_semaphore, #tpu.memory_space<semaphore_mem>>) src(%arg12 : memref<128x128xf32, #tpu.memory_space<vmem>>) dst(%dma_wait3A_931 : memref<128x128xf32, #tpu.memory_space<hbm>>)
      tpu.yield
    }) : () -> ()
    %dma_wait3A_845 = arith.constant 0 : i32
    %dma_wait3A_846 = tpu.memref_slice %arg11[%dma_wait3A_845] : memref<512xi32, #tpu.memory_space<vmem>> -> memref<128xi32, #tpu.memory_space<vmem>>
    %dma_wait3A_847 = arith.constant 0 : i32
    %dma_wait3A_848 = arith.constant 0 : i32
    %dma_wait3A_849 = tpu.memref_slice %arg3[%dma_wait3A_847, %dma_wait3A_848] : memref<4096x128xf32, #tpu.memory_space<hbm>> -> memref<4096x128xf32, #tpu.memory_space<hbm>>
    tpu.wait_indirect_dma semaphore(%arg14 : memref<!tpu.dma_semaphore, #tpu.memory_space<semaphore_mem>>) src(%dma_wait3A_849 : memref<4096x128xf32, #tpu.memory_space<hbm>>) dst(%arg13 : memref<128x128xf32, #tpu.memory_space<vmem>>)
    %add3A_850 = arith.constant 0 : i32
    %add3A_851 = arith.addi %mul3A_2, %add3A_850 : i32
    "tpu.region"() ({
      %run_scoped3A = tpu.sem_alloc : memref<!tpu.dma_semaphore, #tpu.memory_space<semaphore_mem>>
      %dma_start3A_924 = arith.constant 0 : i32
      %dma_start3A_925 = tpu.memref_slice %arg7[%add3A_851, %dma_start3A_924] : memref<16384x128xf32, #tpu.memory_space<hbm>> -> memref<128x128xf32, #tpu.memory_space<hbm>>
      %dma_start3A_926 = arith.constant 0 : i32
      %dma_start3A_927 = tpu.memref_slice %arg7[%add3A_851, %dma_start3A_926] : memref<16384x128xf32, #tpu.memory_space<hbm>> -> memref<128x128xf32, #tpu.memory_space<hbm>>
      tpu.enqueue_dma source(%arg13 : memref<128x128xf32, #tpu.memory_space<vmem>>) target(%dma_start3A_927 : memref<128x128xf32, #tpu.memory_space<hbm>>) target_semaphore(%run_scoped3A : memref<!tpu.dma_semaphore, #tpu.memory_space<semaphore_mem>>)
      %dma_wait3A_928 = arith.constant 0 : i32
      %dma_wait3A_929 = tpu.memref_slice %arg7[%add3A_851, %dma_wait3A_928] : memref<16384x128xf32, #tpu.memory_space<hbm>> -> memref<128x128xf32, #tpu.memory_space<hbm>>
      %dma_wait3A_930 = arith.constant 0 : i32
      %dma_wait3A_931 = tpu.memref_slice %arg7[%add3A_851, %dma_wait3A_930] : memref<16384x128xf32, #tpu.memory_space<hbm>> -> memref<128x128xf32, #tpu.memory_space<hbm>>
      tpu.wait_dma2 semaphore(%run_scoped3A : memref<!tpu.dma_semaphore, #tpu.memory_space<semaphore_mem>>) src(%arg13 : memref<128x128xf32, #tpu.memory_space<vmem>>) dst(%dma_wait3A_931 : memref<128x128xf32, #tpu.memory_space<hbm>>)
      tpu.yield
    }) : () -> ()
    %dma_start3A_852 = arith.constant 128 : i32
    %dma_start3A_853 = tpu.memref_slice %arg10[%dma_start3A_852] : memref<512xi32, #tpu.memory_space<vmem>> -> memref<128xi32, #tpu.memory_space<vmem>>
    %dma_start3A_854 = arith.constant 0 : i32
    %dma_start3A_855 = arith.constant 0 : i32
    %dma_start3A_856 = tpu.memref_slice %arg2[%dma_start3A_854, %dma_start3A_855] : memref<250000x128xf32, #tpu.memory_space<hbm>> -> memref<250000x128xf32, #tpu.memory_space<hbm>>
    tpu.enqueue_indirect_dma source(%dma_start3A_856 : memref<250000x128xf32, #tpu.memory_space<hbm>>) target(%arg12 : memref<128x128xf32, #tpu.memory_space<vmem>>) offsets(%dma_start3A_853 : memref<128xi32, #tpu.memory_space<vmem>>) semaphore(%arg14 : memref<!tpu.dma_semaphore, #tpu.memory_space<semaphore_mem>>)
    %dma_start3A_857 = arith.constant 128 : i32
    %dma_start3A_858 = tpu.memref_slice %arg11[%dma_start3A_857] : memref<512xi32, #tpu.memory_space<vmem>> -> memref<128xi32, #tpu.memory_space<vmem>>
    %dma_start3A_859 = arith.constant 0 : i32
    %dma_start3A_860 = arith.constant 0 : i32
    %dma_start3A_861 = tpu.memref_slice %arg3[%dma_start3A_859, %dma_start3A_860] : memref<4096x128xf32, #tpu.memory_space<hbm>> -> memref<4096x128xf32, #tpu.memory_space<hbm>>
    tpu.enqueue_indirect_dma source(%dma_start3A_861 : memref<4096x128xf32, #tpu.memory_space<hbm>>) target(%arg13 : memref<128x128xf32, #tpu.memory_space<vmem>>) offsets(%dma_start3A_858 : memref<128xi32, #tpu.memory_space<vmem>>) semaphore(%arg14 : memref<!tpu.dma_semaphore, #tpu.memory_space<semaphore_mem>>)
    %dma_wait3A_862 = arith.constant 128 : i32
    %dma_wait3A_863 = tpu.memref_slice %arg10[%dma_wait3A_862] : memref<512xi32, #tpu.memory_space<vmem>> -> memref<128xi32, #tpu.memory_space<vmem>>
    %dma_wait3A_864 = arith.constant 0 : i32
    %dma_wait3A_865 = arith.constant 0 : i32
    %dma_wait3A_866 = tpu.memref_slice %arg2[%dma_wait3A_864, %dma_wait3A_865] : memref<250000x128xf32, #tpu.memory_space<hbm>> -> memref<250000x128xf32, #tpu.memory_space<hbm>>
    tpu.wait_indirect_dma semaphore(%arg14 : memref<!tpu.dma_semaphore, #tpu.memory_space<semaphore_mem>>) src(%dma_wait3A_866 : memref<250000x128xf32, #tpu.memory_space<hbm>>) dst(%arg12 : memref<128x128xf32, #tpu.memory_space<vmem>>)
    %add3A_867 = arith.constant 128 : i32
    %add3A_868 = arith.addi %mul3A_2, %add3A_867 : i32
    "tpu.region"() ({
      %run_scoped3A = tpu.sem_alloc : memref<!tpu.dma_semaphore, #tpu.memory_space<semaphore_mem>>
      %dma_start3A_924 = arith.constant 0 : i32
      %dma_start3A_925 = tpu.memref_slice %arg6[%add3A_868, %dma_start3A_924] : memref<16384x128xf32, #tpu.memory_space<hbm>> -> memref<128x128xf32, #tpu.memory_space<hbm>>
      %dma_start3A_926 = arith.constant 0 : i32
      %dma_start3A_927 = tpu.memref_slice %arg6[%add3A_868, %dma_start3A_926] : memref<16384x128xf32, #tpu.memory_space<hbm>> -> memref<128x128xf32, #tpu.memory_space<hbm>>
      tpu.enqueue_dma source(%arg12 : memref<128x128xf32, #tpu.memory_space<vmem>>) target(%dma_start3A_927 : memref<128x128xf32, #tpu.memory_space<hbm>>) target_semaphore(%run_scoped3A : memref<!tpu.dma_semaphore, #tpu.memory_space<semaphore_mem>>)
      %dma_wait3A_928 = arith.constant 0 : i32
      %dma_wait3A_929 = tpu.memref_slice %arg6[%add3A_868, %dma_wait3A_928] : memref<16384x128xf32, #tpu.memory_space<hbm>> -> memref<128x128xf32, #tpu.memory_space<hbm>>
      %dma_wait3A_930 = arith.constant 0 : i32
      %dma_wait3A_931 = tpu.memref_slice %arg6[%add3A_868, %dma_wait3A_930] : memref<16384x128xf32, #tpu.memory_space<hbm>> -> memref<128x128xf32, #tpu.memory_space<hbm>>
      tpu.wait_dma2 semaphore(%run_scoped3A : memref<!tpu.dma_semaphore, #tpu.memory_space<semaphore_mem>>) src(%arg12 : memref<128x128xf32, #tpu.memory_space<vmem>>) dst(%dma_wait3A_931 : memref<128x128xf32, #tpu.memory_space<hbm>>)
      tpu.yield
    }) : () -> ()
    %dma_wait3A_869 = arith.constant 128 : i32
    %dma_wait3A_870 = tpu.memref_slice %arg11[%dma_wait3A_869] : memref<512xi32, #tpu.memory_space<vmem>> -> memref<128xi32, #tpu.memory_space<vmem>>
    %dma_wait3A_871 = arith.constant 0 : i32
    %dma_wait3A_872 = arith.constant 0 : i32
    %dma_wait3A_873 = tpu.memref_slice %arg3[%dma_wait3A_871, %dma_wait3A_872] : memref<4096x128xf32, #tpu.memory_space<hbm>> -> memref<4096x128xf32, #tpu.memory_space<hbm>>
    tpu.wait_indirect_dma semaphore(%arg14 : memref<!tpu.dma_semaphore, #tpu.memory_space<semaphore_mem>>) src(%dma_wait3A_873 : memref<4096x128xf32, #tpu.memory_space<hbm>>) dst(%arg13 : memref<128x128xf32, #tpu.memory_space<vmem>>)
    %add3A_874 = arith.constant 128 : i32
    %add3A_875 = arith.addi %mul3A_2, %add3A_874 : i32
    "tpu.region"() ({
      %run_scoped3A = tpu.sem_alloc : memref<!tpu.dma_semaphore, #tpu.memory_space<semaphore_mem>>
      %dma_start3A_924 = arith.constant 0 : i32
      %dma_start3A_925 = tpu.memref_slice %arg7[%add3A_875, %dma_start3A_924] : memref<16384x128xf32, #tpu.memory_space<hbm>> -> memref<128x128xf32, #tpu.memory_space<hbm>>
      %dma_start3A_926 = arith.constant 0 : i32
      %dma_start3A_927 = tpu.memref_slice %arg7[%add3A_875, %dma_start3A_926] : memref<16384x128xf32, #tpu.memory_space<hbm>> -> memref<128x128xf32, #tpu.memory_space<hbm>>
      tpu.enqueue_dma source(%arg13 : memref<128x128xf32, #tpu.memory_space<vmem>>) target(%dma_start3A_927 : memref<128x128xf32, #tpu.memory_space<hbm>>) target_semaphore(%run_scoped3A : memref<!tpu.dma_semaphore, #tpu.memory_space<semaphore_mem>>)
      %dma_wait3A_928 = arith.constant 0 : i32
      %dma_wait3A_929 = tpu.memref_slice %arg7[%add3A_875, %dma_wait3A_928] : memref<16384x128xf32, #tpu.memory_space<hbm>> -> memref<128x128xf32, #tpu.memory_space<hbm>>
      %dma_wait3A_930 = arith.constant 0 : i32
      %dma_wait3A_931 = tpu.memref_slice %arg7[%add3A_875, %dma_wait3A_930] : memref<16384x128xf32, #tpu.memory_space<hbm>> -> memref<128x128xf32, #tpu.memory_space<hbm>>
      tpu.wait_dma2 semaphore(%run_scoped3A : memref<!tpu.dma_semaphore, #tpu.memory_space<semaphore_mem>>) src(%arg13 : memref<128x128xf32, #tpu.memory_space<vmem>>) dst(%dma_wait3A_931 : memref<128x128xf32, #tpu.memory_space<hbm>>)
      tpu.yield
    }) : () -> ()
    %dma_start3A_876 = arith.constant 256 : i32
    %dma_start3A_877 = tpu.memref_slice %arg10[%dma_start3A_876] : memref<512xi32, #tpu.memory_space<vmem>> -> memref<128xi32, #tpu.memory_space<vmem>>
    %dma_start3A_878 = arith.constant 0 : i32
    %dma_start3A_879 = arith.constant 0 : i32
    %dma_start3A_880 = tpu.memref_slice %arg2[%dma_start3A_878, %dma_start3A_879] : memref<250000x128xf32, #tpu.memory_space<hbm>> -> memref<250000x128xf32, #tpu.memory_space<hbm>>
    tpu.enqueue_indirect_dma source(%dma_start3A_880 : memref<250000x128xf32, #tpu.memory_space<hbm>>) target(%arg12 : memref<128x128xf32, #tpu.memory_space<vmem>>) offsets(%dma_start3A_877 : memref<128xi32, #tpu.memory_space<vmem>>) semaphore(%arg14 : memref<!tpu.dma_semaphore, #tpu.memory_space<semaphore_mem>>)
    %dma_start3A_881 = arith.constant 256 : i32
    %dma_start3A_882 = tpu.memref_slice %arg11[%dma_start3A_881] : memref<512xi32, #tpu.memory_space<vmem>> -> memref<128xi32, #tpu.memory_space<vmem>>
    %dma_start3A_883 = arith.constant 0 : i32
    %dma_start3A_884 = arith.constant 0 : i32
    %dma_start3A_885 = tpu.memref_slice %arg3[%dma_start3A_883, %dma_start3A_884] : memref<4096x128xf32, #tpu.memory_space<hbm>> -> memref<4096x128xf32, #tpu.memory_space<hbm>>
    tpu.enqueue_indirect_dma source(%dma_start3A_885 : memref<4096x128xf32, #tpu.memory_space<hbm>>) target(%arg13 : memref<128x128xf32, #tpu.memory_space<vmem>>) offsets(%dma_start3A_882 : memref<128xi32, #tpu.memory_space<vmem>>) semaphore(%arg14 : memref<!tpu.dma_semaphore, #tpu.memory_space<semaphore_mem>>)
    %dma_wait3A_886 = arith.constant 256 : i32
    %dma_wait3A_887 = tpu.memref_slice %arg10[%dma_wait3A_886] : memref<512xi32, #tpu.memory_space<vmem>> -> memref<128xi32, #tpu.memory_space<vmem>>
    %dma_wait3A_888 = arith.constant 0 : i32
    %dma_wait3A_889 = arith.constant 0 : i32
    %dma_wait3A_890 = tpu.memref_slice %arg2[%dma_wait3A_888, %dma_wait3A_889] : memref<250000x128xf32, #tpu.memory_space<hbm>> -> memref<250000x128xf32, #tpu.memory_space<hbm>>
    tpu.wait_indirect_dma semaphore(%arg14 : memref<!tpu.dma_semaphore, #tpu.memory_space<semaphore_mem>>) src(%dma_wait3A_890 : memref<250000x128xf32, #tpu.memory_space<hbm>>) dst(%arg12 : memref<128x128xf32, #tpu.memory_space<vmem>>)
    %add3A_891 = arith.constant 256 : i32
    %add3A_892 = arith.addi %mul3A_2, %add3A_891 : i32
    "tpu.region"() ({
      %run_scoped3A = tpu.sem_alloc : memref<!tpu.dma_semaphore, #tpu.memory_space<semaphore_mem>>
      %dma_start3A_924 = arith.constant 0 : i32
      %dma_start3A_925 = tpu.memref_slice %arg6[%add3A_892, %dma_start3A_924] : memref<16384x128xf32, #tpu.memory_space<hbm>> -> memref<128x128xf32, #tpu.memory_space<hbm>>
      %dma_start3A_926 = arith.constant 0 : i32
      %dma_start3A_927 = tpu.memref_slice %arg6[%add3A_892, %dma_start3A_926] : memref<16384x128xf32, #tpu.memory_space<hbm>> -> memref<128x128xf32, #tpu.memory_space<hbm>>
      tpu.enqueue_dma source(%arg12 : memref<128x128xf32, #tpu.memory_space<vmem>>) target(%dma_start3A_927 : memref<128x128xf32, #tpu.memory_space<hbm>>) target_semaphore(%run_scoped3A : memref<!tpu.dma_semaphore, #tpu.memory_space<semaphore_mem>>)
      %dma_wait3A_928 = arith.constant 0 : i32
      %dma_wait3A_929 = tpu.memref_slice %arg6[%add3A_892, %dma_wait3A_928] : memref<16384x128xf32, #tpu.memory_space<hbm>> -> memref<128x128xf32, #tpu.memory_space<hbm>>
      %dma_wait3A_930 = arith.constant 0 : i32
      %dma_wait3A_931 = tpu.memref_slice %arg6[%add3A_892, %dma_wait3A_930] : memref<16384x128xf32, #tpu.memory_space<hbm>> -> memref<128x128xf32, #tpu.memory_space<hbm>>
      tpu.wait_dma2 semaphore(%run_scoped3A : memref<!tpu.dma_semaphore, #tpu.memory_space<semaphore_mem>>) src(%arg12 : memref<128x128xf32, #tpu.memory_space<vmem>>) dst(%dma_wait3A_931 : memref<128x128xf32, #tpu.memory_space<hbm>>)
      tpu.yield
    }) : () -> ()
    %dma_wait3A_893 = arith.constant 256 : i32
    %dma_wait3A_894 = tpu.memref_slice %arg11[%dma_wait3A_893] : memref<512xi32, #tpu.memory_space<vmem>> -> memref<128xi32, #tpu.memory_space<vmem>>
    %dma_wait3A_895 = arith.constant 0 : i32
    %dma_wait3A_896 = arith.constant 0 : i32
    %dma_wait3A_897 = tpu.memref_slice %arg3[%dma_wait3A_895, %dma_wait3A_896] : memref<4096x128xf32, #tpu.memory_space<hbm>> -> memref<4096x128xf32, #tpu.memory_space<hbm>>
    tpu.wait_indirect_dma semaphore(%arg14 : memref<!tpu.dma_semaphore, #tpu.memory_space<semaphore_mem>>) src(%dma_wait3A_897 : memref<4096x128xf32, #tpu.memory_space<hbm>>) dst(%arg13 : memref<128x128xf32, #tpu.memory_space<vmem>>)
    %add3A_898 = arith.constant 256 : i32
    %add3A_899 = arith.addi %mul3A_2, %add3A_898 : i32
    "tpu.region"() ({
      %run_scoped3A = tpu.sem_alloc : memref<!tpu.dma_semaphore, #tpu.memory_space<semaphore_mem>>
      %dma_start3A_924 = arith.constant 0 : i32
      %dma_start3A_925 = tpu.memref_slice %arg7[%add3A_899, %dma_start3A_924] : memref<16384x128xf32, #tpu.memory_space<hbm>> -> memref<128x128xf32, #tpu.memory_space<hbm>>
      %dma_start3A_926 = arith.constant 0 : i32
      %dma_start3A_927 = tpu.memref_slice %arg7[%add3A_899, %dma_start3A_926] : memref<16384x128xf32, #tpu.memory_space<hbm>> -> memref<128x128xf32, #tpu.memory_space<hbm>>
      tpu.enqueue_dma source(%arg13 : memref<128x128xf32, #tpu.memory_space<vmem>>) target(%dma_start3A_927 : memref<128x128xf32, #tpu.memory_space<hbm>>) target_semaphore(%run_scoped3A : memref<!tpu.dma_semaphore, #tpu.memory_space<semaphore_mem>>)
      %dma_wait3A_928 = arith.constant 0 : i32
      %dma_wait3A_929 = tpu.memref_slice %arg7[%add3A_899, %dma_wait3A_928] : memref<16384x128xf32, #tpu.memory_space<hbm>> -> memref<128x128xf32, #tpu.memory_space<hbm>>
      %dma_wait3A_930 = arith.constant 0 : i32
      %dma_wait3A_931 = tpu.memref_slice %arg7[%add3A_899, %dma_wait3A_930] : memref<16384x128xf32, #tpu.memory_space<hbm>> -> memref<128x128xf32, #tpu.memory_space<hbm>>
      tpu.wait_dma2 semaphore(%run_scoped3A : memref<!tpu.dma_semaphore, #tpu.memory_space<semaphore_mem>>) src(%arg13 : memref<128x128xf32, #tpu.memory_space<vmem>>) dst(%dma_wait3A_931 : memref<128x128xf32, #tpu.memory_space<hbm>>)
      tpu.yield
    }) : () -> ()
    %dma_start3A_900 = arith.constant 384 : i32
    %dma_start3A_901 = tpu.memref_slice %arg10[%dma_start3A_900] : memref<512xi32, #tpu.memory_space<vmem>> -> memref<128xi32, #tpu.memory_space<vmem>>
    %dma_start3A_902 = arith.constant 0 : i32
    %dma_start3A_903 = arith.constant 0 : i32
    %dma_start3A_904 = tpu.memref_slice %arg2[%dma_start3A_902, %dma_start3A_903] : memref<250000x128xf32, #tpu.memory_space<hbm>> -> memref<250000x128xf32, #tpu.memory_space<hbm>>
    tpu.enqueue_indirect_dma source(%dma_start3A_904 : memref<250000x128xf32, #tpu.memory_space<hbm>>) target(%arg12 : memref<128x128xf32, #tpu.memory_space<vmem>>) offsets(%dma_start3A_901 : memref<128xi32, #tpu.memory_space<vmem>>) semaphore(%arg14 : memref<!tpu.dma_semaphore, #tpu.memory_space<semaphore_mem>>)
    %dma_start3A_905 = arith.constant 384 : i32
    %dma_start3A_906 = tpu.memref_slice %arg11[%dma_start3A_905] : memref<512xi32, #tpu.memory_space<vmem>> -> memref<128xi32, #tpu.memory_space<vmem>>
    %dma_start3A_907 = arith.constant 0 : i32
    %dma_start3A_908 = arith.constant 0 : i32
    %dma_start3A_909 = tpu.memref_slice %arg3[%dma_start3A_907, %dma_start3A_908] : memref<4096x128xf32, #tpu.memory_space<hbm>> -> memref<4096x128xf32, #tpu.memory_space<hbm>>
    tpu.enqueue_indirect_dma source(%dma_start3A_909 : memref<4096x128xf32, #tpu.memory_space<hbm>>) target(%arg13 : memref<128x128xf32, #tpu.memory_space<vmem>>) offsets(%dma_start3A_906 : memref<128xi32, #tpu.memory_space<vmem>>) semaphore(%arg14 : memref<!tpu.dma_semaphore, #tpu.memory_space<semaphore_mem>>)
    %dma_wait3A_910 = arith.constant 384 : i32
    %dma_wait3A_911 = tpu.memref_slice %arg10[%dma_wait3A_910] : memref<512xi32, #tpu.memory_space<vmem>> -> memref<128xi32, #tpu.memory_space<vmem>>
    %dma_wait3A_912 = arith.constant 0 : i32
    %dma_wait3A_913 = arith.constant 0 : i32
    %dma_wait3A_914 = tpu.memref_slice %arg2[%dma_wait3A_912, %dma_wait3A_913] : memref<250000x128xf32, #tpu.memory_space<hbm>> -> memref<250000x128xf32, #tpu.memory_space<hbm>>
    tpu.wait_indirect_dma semaphore(%arg14 : memref<!tpu.dma_semaphore, #tpu.memory_space<semaphore_mem>>) src(%dma_wait3A_914 : memref<250000x128xf32, #tpu.memory_space<hbm>>) dst(%arg12 : memref<128x128xf32, #tpu.memory_space<vmem>>)
    %add3A_915 = arith.constant 384 : i32
    %add3A_916 = arith.addi %mul3A_2, %add3A_915 : i32
    "tpu.region"() ({
      %run_scoped3A = tpu.sem_alloc : memref<!tpu.dma_semaphore, #tpu.memory_space<semaphore_mem>>
      %dma_start3A_924 = arith.constant 0 : i32
      %dma_start3A_925 = tpu.memref_slice %arg6[%add3A_916, %dma_start3A_924] : memref<16384x128xf32, #tpu.memory_space<hbm>> -> memref<128x128xf32, #tpu.memory_space<hbm>>
      %dma_start3A_926 = arith.constant 0 : i32
      %dma_start3A_927 = tpu.memref_slice %arg6[%add3A_916, %dma_start3A_926] : memref<16384x128xf32, #tpu.memory_space<hbm>> -> memref<128x128xf32, #tpu.memory_space<hbm>>
      tpu.enqueue_dma source(%arg12 : memref<128x128xf32, #tpu.memory_space<vmem>>) target(%dma_start3A_927 : memref<128x128xf32, #tpu.memory_space<hbm>>) target_semaphore(%run_scoped3A : memref<!tpu.dma_semaphore, #tpu.memory_space<semaphore_mem>>)
      %dma_wait3A_928 = arith.constant 0 : i32
      %dma_wait3A_929 = tpu.memref_slice %arg6[%add3A_916, %dma_wait3A_928] : memref<16384x128xf32, #tpu.memory_space<hbm>> -> memref<128x128xf32, #tpu.memory_space<hbm>>
      %dma_wait3A_930 = arith.constant 0 : i32
      %dma_wait3A_931 = tpu.memref_slice %arg6[%add3A_916, %dma_wait3A_930] : memref<16384x128xf32, #tpu.memory_space<hbm>> -> memref<128x128xf32, #tpu.memory_space<hbm>>
      tpu.wait_dma2 semaphore(%run_scoped3A : memref<!tpu.dma_semaphore, #tpu.memory_space<semaphore_mem>>) src(%arg12 : memref<128x128xf32, #tpu.memory_space<vmem>>) dst(%dma_wait3A_931 : memref<128x128xf32, #tpu.memory_space<hbm>>)
      tpu.yield
    }) : () -> ()
    %dma_wait3A_917 = arith.constant 384 : i32
    %dma_wait3A_918 = tpu.memref_slice %arg11[%dma_wait3A_917] : memref<512xi32, #tpu.memory_space<vmem>> -> memref<128xi32, #tpu.memory_space<vmem>>
    %dma_wait3A_919 = arith.constant 0 : i32
    %dma_wait3A_920 = arith.constant 0 : i32
    %dma_wait3A_921 = tpu.memref_slice %arg3[%dma_wait3A_919, %dma_wait3A_920] : memref<4096x128xf32, #tpu.memory_space<hbm>> -> memref<4096x128xf32, #tpu.memory_space<hbm>>
    tpu.wait_indirect_dma semaphore(%arg14 : memref<!tpu.dma_semaphore, #tpu.memory_space<semaphore_mem>>) src(%dma_wait3A_921 : memref<4096x128xf32, #tpu.memory_space<hbm>>) dst(%arg13 : memref<128x128xf32, #tpu.memory_space<vmem>>)
    %add3A_922 = arith.constant 384 : i32
    %add3A_923 = arith.addi %mul3A_2, %add3A_922 : i32
    "tpu.region"() ({
      %run_scoped3A = tpu.sem_alloc : memref<!tpu.dma_semaphore, #tpu.memory_space<semaphore_mem>>
      %dma_start3A_924 = arith.constant 0 : i32
      %dma_start3A_925 = tpu.memref_slice %arg7[%add3A_923, %dma_start3A_924] : memref<16384x128xf32, #tpu.memory_space<hbm>> -> memref<128x128xf32, #tpu.memory_space<hbm>>
      %dma_start3A_926 = arith.constant 0 : i32
      %dma_start3A_927 = tpu.memref_slice %arg7[%add3A_923, %dma_start3A_926] : memref<16384x128xf32, #tpu.memory_space<hbm>> -> memref<128x128xf32, #tpu.memory_space<hbm>>
      tpu.enqueue_dma source(%arg13 : memref<128x128xf32, #tpu.memory_space<vmem>>) target(%dma_start3A_927 : memref<128x128xf32, #tpu.memory_space<hbm>>) target_semaphore(%run_scoped3A : memref<!tpu.dma_semaphore, #tpu.memory_space<semaphore_mem>>)
      %dma_wait3A_928 = arith.constant 0 : i32
      %dma_wait3A_929 = tpu.memref_slice %arg7[%add3A_923, %dma_wait3A_928] : memref<16384x128xf32, #tpu.memory_space<hbm>> -> memref<128x128xf32, #tpu.memory_space<hbm>>
      %dma_wait3A_930 = arith.constant 0 : i32
      %dma_wait3A_931 = tpu.memref_slice %arg7[%add3A_923, %dma_wait3A_930] : memref<16384x128xf32, #tpu.memory_space<hbm>> -> memref<128x128xf32, #tpu.memory_space<hbm>>
      tpu.wait_dma2 semaphore(%run_scoped3A : memref<!tpu.dma_semaphore, #tpu.memory_space<semaphore_mem>>) src(%arg13 : memref<128x128xf32, #tpu.memory_space<vmem>>) dst(%dma_wait3A_931 : memref<128x128xf32, #tpu.memory_space<hbm>>)
      tpu.yield
    }) : () -> ()
    return
  }
}

module attributes {stable_mosaic.version = 14 : i64} {
  func.func @_pack_det_body(%arg0: i32, %arg1: memref<256x20xf32, #tpu.memory_space<vmem>>, %arg2: memref<256x128xf32, #tpu.memory_space<vmem>>) attributes {dimension_semantics = [#tpu.dimension_semantics<arbitrary>], iteration_bounds = array<i64: 16>, scalar_prefetch = 0 : i64, scratch_operands = 0 : i64, tpu.core_type = #tpu.core_type<tc>, window_params = [{transform_indices = @transform_0, window_bounds = array<i64: 256, 20>}, {transform_indices = @transform_1, window_bounds = array<i64: 256, 128>}]} {
    %get3A = arith.constant 0 : index
    %get3A_0 = arith.constant 0 : index
    %get3A_1 = vector.load %arg1[%get3A, %get3A_0] : memref<256x20xf32, #tpu.memory_space<vmem>>, vector<256x20xf32>
    %broadcast_in_dim3A = arith.constant 0.000000e+00 : f32
    %broadcast_in_dim3A_2 = vector.broadcast %broadcast_in_dim3A : f32 to vector<256x27xf32>
    %slice3A = vector.extract_strided_slice %get3A_1 {offsets = [0, 0], sizes = [256, 5], strides = [1, 1]} : vector<256x20xf32> to vector<256x5xf32>
    %slice3A_3 = vector.extract_strided_slice %get3A_1 {offsets = [0, 5], sizes = [256, 5], strides = [1, 1]} : vector<256x20xf32> to vector<256x5xf32>
    %slice3A_4 = vector.extract_strided_slice %get3A_1 {offsets = [0, 10], sizes = [256, 5], strides = [1, 1]} : vector<256x20xf32> to vector<256x5xf32>
    %slice3A_5 = vector.extract_strided_slice %get3A_1 {offsets = [0, 15], sizes = [256, 5], strides = [1, 1]} : vector<256x20xf32> to vector<256x5xf32>
    %concatenate3A = tpu.concatenate %slice3A, %broadcast_in_dim3A_2, %slice3A_3, %broadcast_in_dim3A_2, %slice3A_4, %broadcast_in_dim3A_2, %slice3A_5, %broadcast_in_dim3A_2 in 1 : vector<256x5xf32>, vector<256x27xf32>, vector<256x5xf32>, vector<256x27xf32>, vector<256x5xf32>, vector<256x27xf32>, vector<256x5xf32>, vector<256x27xf32> -> vector<256x128xf32>
    %swap3A = arith.constant 0 : index
    %swap3A_6 = arith.constant 0 : index
    %swap3A_7 = vector.load %arg2[%swap3A, %swap3A_6] : memref<256x128xf32, #tpu.memory_space<vmem>>, vector<256x128xf32>
    tpu.vector_store %arg2[%swap3A, %swap3A_6], %concatenate3A {strides = array<i32>} : memref<256x128xf32, #tpu.memory_space<vmem>>, vector<256x128xf32>,
    return
  }
  func.func @transform_0(%arg0: i32) -> (i32, i32) {
    %c0_i32 = arith.constant 0 : i32
    %c0_i32_0 = arith.constant 0 : i32
    return %arg0, %c0_i32 : i32, i32
  }
  func.func @transform_1(%arg0: i32) -> (i32, i32) {
    %c0_i32 = arith.constant 0 : i32
    %c0_i32_0 = arith.constant 0 : i32
    return %arg0, %c0_i32 : i32, i32
  }
}

module attributes {stable_mosaic.version = 14 : i64} {
  func.func @_match_body(%arg0: i32, %arg1: memref<2048x1xi32, #tpu.memory_space<vmem>>, %arg2: memref<1x16384xi32, #tpu.memory_space<vmem>>, %arg3: memref<2048x1xi32, #tpu.memory_space<vmem>>) attributes {dimension_semantics = [#tpu.dimension_semantics<arbitrary>], iteration_bounds = array<i64: 8>, scalar_prefetch = 0 : i64, scratch_operands = 0 : i64, tpu.core_type = #tpu.core_type<tc>, window_params = [{transform_indices = @transform_0, window_bounds = array<i64: 2048, 1>}, {pipeline_mode = #tpu.pipeline_mode<synchronous>, transform_indices = @transform_1, window_bounds = array<i64: 1, 16384>}, {transform_indices = @transform_2, window_bounds = array<i64: 2048, 1>}]} {
    %get3A = arith.constant 0 : index
    %get3A_0 = arith.constant 0 : index
    %get3A_1 = vector.load %arg1[%get3A, %get3A_0] : memref<2048x1xi32, #tpu.memory_space<vmem>>, vector<2048x1xi32>
    %broadcast_in_dim3A = arith.constant -1 : i32
    %broadcast_in_dim3A_2 = vector.broadcast %broadcast_in_dim3A : i32 to vector<2048x1xi32>
    %get3A_3 = arith.constant 0 : index
    %get3A_4 = arith.constant 0 : index
    %get3A_5 = vector.load %arg2[%get3A_3, %get3A_4] : memref<1x16384xi32, #tpu.memory_space<vmem>>, vector<1x2048xi32>
    %get3A_6 = vector.shape_cast %get3A_5 : vector<1x2048xi32> to vector<2048xi32>
    %broadcast_in_dim3A_7 = vector.shape_cast %get3A_6 : vector<2048xi32> to vector<1x2048xi32>
    %iota3A = tpu.iota {dimensions = array<i32: 1>} : vector<2048x2048xi32>
    %add3A = arith.constant 0 : i32
    %add3A_8 = vector.broadcast %add3A : i32 to vector<2048x2048xi32>
    %add3A_9 = arith.addi %iota3A, %add3A_8 : vector<2048x2048xi32>
    %eq3A = vector.broadcast %get3A_1 : vector<2048x1xi32> to vector<2048x2048xi32>
    %eq3A_10 = vector.broadcast %broadcast_in_dim3A_7 : vector<1x2048xi32> to vector<2048x2048xi32>
    %eq3A_11 = arith.cmpi eq, %eq3A, %eq3A_10 : vector<2048x2048xi32>
    %jit3A = arith.constant -1 : i32
    %broadcast_in_dim3A_12 = vector.broadcast %jit3A : i32 to vector<2048x2048xi32>
    %select_n3A = arith.select %eq3A_11, %add3A_9, %broadcast_in_dim3A_12 : vector<2048x2048xi1>, vector<2048x2048xi32>
    %reduce_max3A = arith.constant dense<-2147483648> : vector<2048xi32>
    %reduce_max3A_13 = vector.multi_reduction <maxsi>, %select_n3A, %reduce_max3A [1] : vector<2048x2048xi32> to vector<2048xi32>
    %broadcast_in_dim3A_14 = vector.shape_cast %reduce_max3A_13 : vector<2048xi32> to vector<2048x1xi32>
    %max3A = arith.maxsi %broadcast_in_dim3A_2, %broadcast_in_dim3A_14 : vector<2048x1xi32>
    %get3A_15 = arith.constant 0 : index
    %get3A_16 = arith.constant 2048 : index
    %get3A_17 = vector.load %arg2[%get3A_15, %get3A_16] : memref<1x16384xi32, #tpu.memory_space<vmem>>, vector<1x2048xi32>
    %get3A_18 = vector.shape_cast %get3A_17 : vector<1x2048xi32> to vector<2048xi32>
    %broadcast_in_dim3A_19 = vector.shape_cast %get3A_18 : vector<2048xi32> to vector<1x2048xi32>
    %iota3A_20 = tpu.iota {dimensions = array<i32: 1>} : vector<2048x2048xi32>
    %add3A_21 = arith.constant 2048 : i32
    %add3A_22 = vector.broadcast %add3A_21 : i32 to vector<2048x2048xi32>
    %add3A_23 = arith.addi %iota3A_20, %add3A_22 : vector<2048x2048xi32>
    %eq3A_24 = vector.broadcast %get3A_1 : vector<2048x1xi32> to vector<2048x2048xi32>
    %eq3A_25 = vector.broadcast %broadcast_in_dim3A_19 : vector<1x2048xi32> to vector<2048x2048xi32>
    %eq3A_26 = arith.cmpi eq, %eq3A_24, %eq3A_25 : vector<2048x2048xi32>
    %jit3A_27 = arith.constant -1 : i32
    %broadcast_in_dim3A_28 = vector.broadcast %jit3A_27 : i32 to vector<2048x2048xi32>
    %select_n3A_29 = arith.select %eq3A_26, %add3A_23, %broadcast_in_dim3A_28 : vector<2048x2048xi1>, vector<2048x2048xi32>
    %reduce_max3A_30 = arith.constant dense<-2147483648> : vector<2048xi32>
    %reduce_max3A_31 = vector.multi_reduction <maxsi>, %select_n3A_29, %reduce_max3A_30 [1] : vector<2048x2048xi32> to vector<2048xi32>
    %broadcast_in_dim3A_32 = vector.shape_cast %reduce_max3A_31 : vector<2048xi32> to vector<2048x1xi32>
    %max3A_33 = arith.maxsi %max3A, %broadcast_in_dim3A_32 : vector<2048x1xi32>
    %get3A_34 = arith.constant 0 : index
    %get3A_35 = arith.constant 4096 : index
    %get3A_36 = vector.load %arg2[%get3A_34, %get3A_35] : memref<1x16384xi32, #tpu.memory_space<vmem>>, vector<1x2048xi32>
    %get3A_37 = vector.shape_cast %get3A_36 : vector<1x2048xi32> to vector<2048xi32>
    %broadcast_in_dim3A_38 = vector.shape_cast %get3A_37 : vector<2048xi32> to vector<1x2048xi32>
    %iota3A_39 = tpu.iota {dimensions = array<i32: 1>} : vector<2048x2048xi32>
    %add3A_40 = arith.constant 4096 : i32
    %add3A_41 = vector.broadcast %add3A_40 : i32 to vector<2048x2048xi32>
    %add3A_42 = arith.addi %iota3A_39, %add3A_41 : vector<2048x2048xi32>
    %eq3A_43 = vector.broadcast %get3A_1 : vector<2048x1xi32> to vector<2048x2048xi32>
    %eq3A_44 = vector.broadcast %broadcast_in_dim3A_38 : vector<1x2048xi32> to vector<2048x2048xi32>
    %eq3A_45 = arith.cmpi eq, %eq3A_43, %eq3A_44 : vector<2048x2048xi32>
    %jit3A_46 = arith.constant -1 : i32
    %broadcast_in_dim3A_47 = vector.broadcast %jit3A_46 : i32 to vector<2048x2048xi32>
    %select_n3A_48 = arith.select %eq3A_45, %add3A_42, %broadcast_in_dim3A_47 : vector<2048x2048xi1>, vector<2048x2048xi32>
    %reduce_max3A_49 = arith.constant dense<-2147483648> : vector<2048xi32>
    %reduce_max3A_50 = vector.multi_reduction <maxsi>, %select_n3A_48, %reduce_max3A_49 [1] : vector<2048x2048xi32> to vector<2048xi32>
    %broadcast_in_dim3A_51 = vector.shape_cast %reduce_max3A_50 : vector<2048xi32> to vector<2048x1xi32>
    %max3A_52 = arith.maxsi %max3A_33, %broadcast_in_dim3A_51 : vector<2048x1xi32>
    %get3A_53 = arith.constant 0 : index
    %get3A_54 = arith.constant 6144 : index
    %get3A_55 = vector.load %arg2[%get3A_53, %get3A_54] : memref<1x16384xi32, #tpu.memory_space<vmem>>, vector<1x2048xi32>
    %get3A_56 = vector.shape_cast %get3A_55 : vector<1x2048xi32> to vector<2048xi32>
    %broadcast_in_dim3A_57 = vector.shape_cast %get3A_56 : vector<2048xi32> to vector<1x2048xi32>
    %iota3A_58 = tpu.iota {dimensions = array<i32: 1>} : vector<2048x2048xi32>
    %add3A_59 = arith.constant 6144 : i32
    %add3A_60 = vector.broadcast %add3A_59 : i32 to vector<2048x2048xi32>
    %add3A_61 = arith.addi %iota3A_58, %add3A_60 : vector<2048x2048xi32>
    %eq3A_62 = vector.broadcast %get3A_1 : vector<2048x1xi32> to vector<2048x2048xi32>
    %eq3A_63 = vector.broadcast %broadcast_in_dim3A_57 : vector<1x2048xi32> to vector<2048x2048xi32>
    %eq3A_64 = arith.cmpi eq, %eq3A_62, %eq3A_63 : vector<2048x2048xi32>
    %jit3A_65 = arith.constant -1 : i32
    %broadcast_in_dim3A_66 = vector.broadcast %jit3A_65 : i32 to vector<2048x2048xi32>
    %select_n3A_67 = arith.select %eq3A_64, %add3A_61, %broadcast_in_dim3A_66 : vector<2048x2048xi1>, vector<2048x2048xi32>
    %reduce_max3A_68 = arith.constant dense<-2147483648> : vector<2048xi32>
    %reduce_max3A_69 = vector.multi_reduction <maxsi>, %select_n3A_67, %reduce_max3A_68 [1] : vector<2048x2048xi32> to vector<2048xi32>
    %broadcast_in_dim3A_70 = vector.shape_cast %reduce_max3A_69 : vector<2048xi32> to vector<2048x1xi32>
    %max3A_71 = arith.maxsi %max3A_52, %broadcast_in_dim3A_70 : vector<2048x1xi32>
    %get3A_72 = arith.constant 0 : index
    %get3A_73 = arith.constant 8192 : index
    %get3A_74 = vector.load %arg2[%get3A_72, %get3A_73] : memref<1x16384xi32, #tpu.memory_space<vmem>>, vector<1x2048xi32>
    %get3A_75 = vector.shape_cast %get3A_74 : vector<1x2048xi32> to vector<2048xi32>
    %broadcast_in_dim3A_76 = vector.shape_cast %get3A_75 : vector<2048xi32> to vector<1x2048xi32>
    %iota3A_77 = tpu.iota {dimensions = array<i32: 1>} : vector<2048x2048xi32>
    %add3A_78 = arith.constant 8192 : i32
    %add3A_79 = vector.broadcast %add3A_78 : i32 to vector<2048x2048xi32>
    %add3A_80 = arith.addi %iota3A_77, %add3A_79 : vector<2048x2048xi32>
    %eq3A_81 = vector.broadcast %get3A_1 : vector<2048x1xi32> to vector<2048x2048xi32>
    %eq3A_82 = vector.broadcast %broadcast_in_dim3A_76 : vector<1x2048xi32> to vector<2048x2048xi32>
    %eq3A_83 = arith.cmpi eq, %eq3A_81, %eq3A_82 : vector<2048x2048xi32>
    %jit3A_84 = arith.constant -1 : i32
    %broadcast_in_dim3A_85 = vector.broadcast %jit3A_84 : i32 to vector<2048x2048xi32>
    %select_n3A_86 = arith.select %eq3A_83, %add3A_80, %broadcast_in_dim3A_85 : vector<2048x2048xi1>, vector<2048x2048xi32>
    %reduce_max3A_87 = arith.constant dense<-2147483648> : vector<2048xi32>
    %reduce_max3A_88 = vector.multi_reduction <maxsi>, %select_n3A_86, %reduce_max3A_87 [1] : vector<2048x2048xi32> to vector<2048xi32>
    %broadcast_in_dim3A_89 = vector.shape_cast %reduce_max3A_88 : vector<2048xi32> to vector<2048x1xi32>
    %max3A_90 = arith.maxsi %max3A_71, %broadcast_in_dim3A_89 : vector<2048x1xi32>
    %get3A_91 = arith.constant 0 : index
    %get3A_92 = arith.constant 10240 : index
    %get3A_93 = vector.load %arg2[%get3A_91, %get3A_92] : memref<1x16384xi32, #tpu.memory_space<vmem>>, vector<1x2048xi32>
    %get3A_94 = vector.shape_cast %get3A_93 : vector<1x2048xi32> to vector<2048xi32>
    %broadcast_in_dim3A_95 = vector.shape_cast %get3A_94 : vector<2048xi32> to vector<1x2048xi32>
    %iota3A_96 = tpu.iota {dimensions = array<i32: 1>} : vector<2048x2048xi32>
    %add3A_97 = arith.constant 10240 : i32
    %add3A_98 = vector.broadcast %add3A_97 : i32 to vector<2048x2048xi32>
    %add3A_99 = arith.addi %iota3A_96, %add3A_98 : vector<2048x2048xi32>
    %eq3A_100 = vector.broadcast %get3A_1 : vector<2048x1xi32> to vector<2048x2048xi32>
    %eq3A_101 = vector.broadcast %broadcast_in_dim3A_95 : vector<1x2048xi32> to vector<2048x2048xi32>
    %eq3A_102 = arith.cmpi eq, %eq3A_100, %eq3A_101 : vector<2048x2048xi32>
    %jit3A_103 = arith.constant -1 : i32
    %broadcast_in_dim3A_104 = vector.broadcast %jit3A_103 : i32 to vector<2048x2048xi32>
    %select_n3A_105 = arith.select %eq3A_102, %add3A_99, %broadcast_in_dim3A_104 : vector<2048x2048xi1>, vector<2048x2048xi32>
    %reduce_max3A_106 = arith.constant dense<-2147483648> : vector<2048xi32>
    %reduce_max3A_107 = vector.multi_reduction <maxsi>, %select_n3A_105, %reduce_max3A_106 [1] : vector<2048x2048xi32> to vector<2048xi32>
    %broadcast_in_dim3A_108 = vector.shape_cast %reduce_max3A_107 : vector<2048xi32> to vector<2048x1xi32>
    %max3A_109 = arith.maxsi %max3A_90, %broadcast_in_dim3A_108 : vector<2048x1xi32>
    %get3A_110 = arith.constant 0 : index
    %get3A_111 = arith.constant 12288 : index
    %get3A_112 = vector.load %arg2[%get3A_110, %get3A_111] : memref<1x16384xi32, #tpu.memory_space<vmem>>, vector<1x2048xi32>
    %get3A_113 = vector.shape_cast %get3A_112 : vector<1x2048xi32> to vector<2048xi32>
    %broadcast_in_dim3A_114 = vector.shape_cast %get3A_113 : vector<2048xi32> to vector<1x2048xi32>
    %iota3A_115 = tpu.iota {dimensions = array<i32: 1>} : vector<2048x2048xi32>
    %add3A_116 = arith.constant 12288 : i32
    %add3A_117 = vector.broadcast %add3A_116 : i32 to vector<2048x2048xi32>
    %add3A_118 = arith.addi %iota3A_115, %add3A_117 : vector<2048x2048xi32>
    %eq3A_119 = vector.broadcast %get3A_1 : vector<2048x1xi32> to vector<2048x2048xi32>
    %eq3A_120 = vector.broadcast %broadcast_in_dim3A_114 : vector<1x2048xi32> to vector<2048x2048xi32>
    %eq3A_121 = arith.cmpi eq, %eq3A_119, %eq3A_120 : vector<2048x2048xi32>
    %jit3A_122 = arith.constant -1 : i32
    %broadcast_in_dim3A_123 = vector.broadcast %jit3A_122 : i32 to vector<2048x2048xi32>
    %select_n3A_124 = arith.select %eq3A_121, %add3A_118, %broadcast_in_dim3A_123 : vector<2048x2048xi1>, vector<2048x2048xi32>
    %reduce_max3A_125 = arith.constant dense<-2147483648> : vector<2048xi32>
    %reduce_max3A_126 = vector.multi_reduction <maxsi>, %select_n3A_124, %reduce_max3A_125 [1] : vector<2048x2048xi32> to vector<2048xi32>
    %broadcast_in_dim3A_127 = vector.shape_cast %reduce_max3A_126 : vector<2048xi32> to vector<2048x1xi32>
    %max3A_128 = arith.maxsi %max3A_109, %broadcast_in_dim3A_127 : vector<2048x1xi32>
    %get3A_129 = arith.constant 0 : index
    %get3A_130 = arith.constant 14336 : index
    %get3A_131 = vector.load %arg2[%get3A_129, %get3A_130] : memref<1x16384xi32, #tpu.memory_space<vmem>>, vector<1x2048xi32>
    %get3A_132 = vector.shape_cast %get3A_131 : vector<1x2048xi32> to vector<2048xi32>
    %broadcast_in_dim3A_133 = vector.shape_cast %get3A_132 : vector<2048xi32> to vector<1x2048xi32>
    %iota3A_134 = tpu.iota {dimensions = array<i32: 1>} : vector<2048x2048xi32>
    %add3A_135 = arith.constant 14336 : i32
    %add3A_136 = vector.broadcast %add3A_135 : i32 to vector<2048x2048xi32>
    %add3A_137 = arith.addi %iota3A_134, %add3A_136 : vector<2048x2048xi32>
    %eq3A_138 = vector.broadcast %get3A_1 : vector<2048x1xi32> to vector<2048x2048xi32>
    %eq3A_139 = vector.broadcast %broadcast_in_dim3A_133 : vector<1x2048xi32> to vector<2048x2048xi32>
    %eq3A_140 = arith.cmpi eq, %eq3A_138, %eq3A_139 : vector<2048x2048xi32>
    %jit3A_141 = arith.constant -1 : i32
    %broadcast_in_dim3A_142 = vector.broadcast %jit3A_141 : i32 to vector<2048x2048xi32>
    %select_n3A_143 = arith.select %eq3A_140, %add3A_137, %broadcast_in_dim3A_142 : vector<2048x2048xi1>, vector<2048x2048xi32>
    %reduce_max3A_144 = arith.constant dense<-2147483648> : vector<2048xi32>
    %reduce_max3A_145 = vector.multi_reduction <maxsi>, %select_n3A_143, %reduce_max3A_144 [1] : vector<2048x2048xi32> to vector<2048xi32>
    %broadcast_in_dim3A_146 = vector.shape_cast %reduce_max3A_145 : vector<2048xi32> to vector<2048x1xi32>
    %max3A_147 = arith.maxsi %max3A_128, %broadcast_in_dim3A_146 : vector<2048x1xi32>
    %swap3A = arith.constant 0 : index
    %swap3A_148 = arith.constant 0 : index
    %swap3A_149 = vector.load %arg3[%swap3A, %swap3A_148] : memref<2048x1xi32, #tpu.memory_space<vmem>>, vector<2048x1xi32>
    tpu.vector_store %arg3[%swap3A, %swap3A_148], %max3A_147 {strides = array<i32>} : memref<2048x1xi32, #tpu.memory_space<vmem>>, vector<2048x1xi32>,
    return
  }
  func.func @transform_0(%arg0: i32) -> (i32, i32) {
    %c0_i32 = arith.constant 0 : i32
    %c0_i32_0 = arith.constant 0 : i32
    return %arg0, %c0_i32 : i32, i32
  }
  func.func @transform_1(%arg0: i32) -> (i32, i32) {
    %c0_i32 = arith.constant 0 : i32
    %c0_i32_0 = arith.constant 0 : i32
    %c0_i32_1 = arith.constant 0 : i32
    return %c0_i32, %c0_i32_0 : i32, i32
  }
  func.func @transform_2(%arg0: i32) -> (i32, i32) {
    %c0_i32 = arith.constant 0 : i32
    %c0_i32_0 = arith.constant 0 : i32
    return %arg0, %c0_i32 : i32, i32
  }
}

module attributes {stable_mosaic.version = 14 : i64} {
  func.func @_pack_comb_body(%arg0: i32, %arg1: memref<2000x20xf32, #tpu.memory_space<vmem>>, %arg2: memref<2000x20xf32, #tpu.memory_space<vmem>>, %arg3: memref<2000x20xf32, #tpu.memory_space<vmem>>, %arg4: memref<2000x20xf32, #tpu.memory_space<vmem>>, %arg5: memref<2000x20xf32, #tpu.memory_space<vmem>>, %arg6: memref<100x128xf32, #tpu.memory_space<vmem>>, %arg7: memref<2000x128xf32, #tpu.memory_space<vmem>>) attributes {dimension_semantics = [#tpu.dimension_semantics<arbitrary>], iteration_bounds = array<i64: 125>, scalar_prefetch = 0 : i64, scratch_operands = 0 : i64, tpu.core_type = #tpu.core_type<tc>, window_params = [{transform_indices = @transform_0, window_bounds = array<i64: 2000, 20>}, {transform_indices = @transform_1, window_bounds = array<i64: 2000, 20>}, {transform_indices = @transform_2, window_bounds = array<i64: 2000, 20>}, {transform_indices = @transform_3, window_bounds = array<i64: 2000, 20>}, {transform_indices = @transform_4, window_bounds = array<i64: 2000, 20>}, {pipeline_mode = #tpu.pipeline_mode<synchronous>, transform_indices = @transform_5, window_bounds = array<i64: 100, 128>}, {transform_indices = @transform_6, window_bounds = array<i64: 2000, 128>}]} {
    %get3A = arith.constant 0 : index
    %get3A_0 = arith.constant 0 : index
    %get3A_1 = vector.load %arg1[%get3A, %get3A_0] : memref<2000x20xf32, #tpu.memory_space<vmem>>, vector<2000x20xf32>
    %get3A_2 = arith.constant 0 : index
    %get3A_3 = arith.constant 0 : index
    %get3A_4 = vector.load %arg2[%get3A_2, %get3A_3] : memref<2000x20xf32, #tpu.memory_space<vmem>>, vector<2000x20xf32>
    %get3A_5 = arith.constant 0 : index
    %get3A_6 = arith.constant 0 : index
    %get3A_7 = vector.load %arg3[%get3A_5, %get3A_6] : memref<2000x20xf32, #tpu.memory_space<vmem>>, vector<2000x20xf32>
    %get3A_8 = arith.constant 0 : index
    %get3A_9 = arith.constant 0 : index
    %get3A_10 = vector.load %arg4[%get3A_8, %get3A_9] : memref<2000x20xf32, #tpu.memory_space<vmem>>, vector<2000x20xf32>
    %get3A_11 = arith.constant 0 : index
    %get3A_12 = arith.constant 0 : index
    %get3A_13 = vector.load %arg5[%get3A_11, %get3A_12] : memref<2000x20xf32, #tpu.memory_space<vmem>>, vector<2000x20xf32>
    %concatenate3A = tpu.concatenate %get3A_1, %get3A_4, %get3A_7, %get3A_10, %get3A_13 in 1 : vector<2000x20xf32>, vector<2000x20xf32>, vector<2000x20xf32>, vector<2000x20xf32>, vector<2000x20xf32> -> vector<2000x100xf32>
    %get3A_14 = arith.constant 0 : index
    %get3A_15 = arith.constant 0 : index
    %get3A_16 = vector.load %arg6[%get3A_14, %get3A_15] : memref<100x128xf32, #tpu.memory_space<vmem>>, vector<100x128xf32>
    %dot_general3A = arith.constant dense<0.000000e+00> : vector<2000x128xf32>
    %dot_general3A_17 = tpu.matmul %concatenate3A, %get3A_16, %dot_general3A {dimension_numbers = #tpu.dot_dimension_numbers<[1], [0], [0], [1], [0, 0, 1, 1], [], []>, precision = #tpu.contract_precision<fp32>, transpose_lhs_hint = false} : vector<2000x100xf32>, vector<100x128xf32>, vector<2000x128xf32> -> vector<2000x128xf32>
    %swap3A = arith.constant 0 : index
    %swap3A_18 = arith.constant 0 : index
    %swap3A_19 = vector.load %arg7[%swap3A, %swap3A_18] : memref<2000x128xf32, #tpu.memory_space<vmem>>, vector<2000x128xf32>
    tpu.vector_store %arg7[%swap3A, %swap3A_18], %dot_general3A_17 {strides = array<i32>} : memref<2000x128xf32, #tpu.memory_space<vmem>>, vector<2000x128xf32>,
    return
  }
  func.func @transform_0(%arg0: i32) -> (i32, i32) {
    %c0_i32 = arith.constant 0 : i32
    %c0_i32_0 = arith.constant 0 : i32
    return %arg0, %c0_i32 : i32, i32
  }
  func.func @transform_1(%arg0: i32) -> (i32, i32) {
    %c0_i32 = arith.constant 0 : i32
    %c0_i32_0 = arith.constant 0 : i32
    return %arg0, %c0_i32 : i32, i32
  }
  func.func @transform_2(%arg0: i32) -> (i32, i32) {
    %c0_i32 = arith.constant 0 : i32
    %c0_i32_0 = arith.constant 0 : i32
    return %arg0, %c0_i32 : i32, i32
  }
  func.func @transform_3(%arg0: i32) -> (i32, i32) {
    %c0_i32 = arith.constant 0 : i32
    %c0_i32_0 = arith.constant 0 : i32
    return %arg0, %c0_i32 : i32, i32
  }
  func.func @transform_4(%arg0: i32) -> (i32, i32) {
    %c0_i32 = arith.constant 0 : i32
    %c0_i32_0 = arith.constant 0 : i32
    return %arg0, %c0_i32 : i32, i32
  }
  func.func @transform_5(%arg0: i32) -> (i32, i32) {
    %c0_i32 = arith.constant 0 : i32
    %c0_i32_0 = arith.constant 0 : i32
    %c0_i32_1 = arith.constant 0 : i32
    return %c0_i32, %c0_i32_0 : i32, i32
  }
  func.func @transform_6(%arg0: i32) -> (i32, i32) {
    %c0_i32 = arith.constant 0 : i32
    %c0_i32_0 = arith.constant 0 : i32
    return %arg0, %c0_i32 : i32, i32
  }
}

module attributes {stable_mosaic.version = 14 : i64} {
  func.func @_tc_body(%arg0: i32, %arg1: memref<1024x128xf32, #tpu.memory_space<vmem>>, %arg2: memref<1024x128xf32, #tpu.memory_space<vmem>>, %arg3: memref<1024x1xi32, #tpu.memory_space<vmem>>, %arg4: memref<1024x1xi32, #tpu.memory_space<vmem>>, %arg5: memref<20x640xf32, #tpu.memory_space<vmem>>, %arg6: memref<4x20xf32, #tpu.memory_space<vmem>>, %arg7: memref<1x640xf32, #tpu.memory_space<vmem>>, %arg8: memref<1x640xf32, #tpu.memory_space<vmem>>, %arg9: memref<1024x645xf32, #tpu.memory_space<vmem>>) attributes {dimension_semantics = [#tpu.dimension_semantics<arbitrary>], iteration_bounds = array<i64: 16>, scalar_prefetch = 0 : i64, scratch_operands = 0 : i64, tpu.core_type = #tpu.core_type<tc>, window_params = [{transform_indices = @transform_0, window_bounds = array<i64: 1024, 128>}, {transform_indices = @transform_1, window_bounds = array<i64: 1024, 128>}, {transform_indices = @transform_2, window_bounds = array<i64: 1024, 1>}, {transform_indices = @transform_3, window_bounds = array<i64: 1024, 1>}, {pipeline_mode = #tpu.pipeline_mode<synchronous>, transform_indices = @transform_4, window_bounds = array<i64: 20, 640>}, {pipeline_mode = #tpu.pipeline_mode<synchronous>, transform_indices = @transform_5, window_bounds = array<i64: 4, 20>}, {pipeline_mode = #tpu.pipeline_mode<synchronous>, transform_indices = @transform_6, window_bounds = array<i64: 1, 640>}, {pipeline_mode = #tpu.pipeline_mode<synchronous>, transform_indices = @transform_7, window_bounds = array<i64: 1, 640>}, {transform_indices = @transform_8, window_bounds = array<i64: 1024, 645>}]} {
    %get3A = arith.constant 0 : index
    %get3A_0 = arith.constant 0 : index
    %get3A_1 = vector.load %arg3[%get3A, %get3A_0] : memref<1024x1xi32, #tpu.memory_space<vmem>>, vector<1024x1xi32>
    %get3A_2 = arith.constant 0 : index
    %get3A_3 = arith.constant 0 : index
    %get3A_4 = vector.load %arg4[%get3A_2, %get3A_3] : memref<1024x1xi32, #tpu.memory_space<vmem>>, vector<1024x1xi32>
    %max3A = arith.constant 0 : i32
    %max3A_5 = vector.broadcast %max3A : i32 to vector<1024x1xi32>
    %max3A_6 = arith.maxsi %get3A_4, %max3A_5 : vector<1024x1xi32>
    %min3A = arith.constant 16383 : i32
    %min3A_7 = vector.broadcast %min3A : i32 to vector<1024x1xi32>
    %min3A_8 = arith.minsi %max3A_6, %min3A_7 : vector<1024x1xi32>
    %and3A = arith.constant 3 : i32
    %and3A_9 = vector.broadcast %and3A : i32 to vector<1024x1xi32>
    %and3A_10 = arith.andi %get3A_1, %and3A_9 : vector<1024x1xi32>
    %get3A_11 = arith.constant 0 : index
    %get3A_12 = arith.constant 0 : index
    %get3A_13 = vector.load %arg1[%get3A_11, %get3A_12] : memref<1024x128xf32, #tpu.memory_space<vmem>>, vector<1024x128xf32>
    %eq3A = arith.constant 0 : i32
    %eq3A_14 = vector.broadcast %eq3A : i32 to vector<1024x1xi32>
    %eq3A_15 = arith.cmpi eq, %and3A_10, %eq3A_14 : vector<1024x1xi32>
    %slice3A = vector.extract_strided_slice %get3A_13 {offsets = [0, 0], sizes = [1024, 32], strides = [1, 1]} : vector<1024x128xf32> to vector<1024x32xf32>
    %eq3A_16 = arith.constant 1 : i32
    %eq3A_17 = vector.broadcast %eq3A_16 : i32 to vector<1024x1xi32>
    %eq3A_18 = arith.cmpi eq, %and3A_10, %eq3A_17 : vector<1024x1xi32>
    %slice3A_19 = vector.extract_strided_slice %get3A_13 {offsets = [0, 32], sizes = [1024, 32], strides = [1, 1]} : vector<1024x128xf32> to vector<1024x32xf32>
    %eq3A_20 = arith.constant 2 : i32
    %eq3A_21 = vector.broadcast %eq3A_20 : i32 to vector<1024x1xi32>
    %eq3A_22 = arith.cmpi eq, %and3A_10, %eq3A_21 : vector<1024x1xi32>
    %slice3A_23 = vector.extract_strided_slice %get3A_13 {offsets = [0, 64], sizes = [1024, 32], strides = [1, 1]} : vector<1024x128xf32> to vector<1024x32xf32>
    %slice3A_24 = vector.extract_strided_slice %get3A_13 {offsets = [0, 96], sizes = [1024, 32], strides = [1, 1]} : vector<1024x128xf32> to vector<1024x32xf32>
    %broadcast_in_dim3A = vector.shape_cast %eq3A_22 : vector<1024x1xi1> to vector<1024x1xi1>
    %broadcast_in_dim3A_25 = vector.broadcast %broadcast_in_dim3A : vector<1024x1xi1> to vector<1024x32xi1>
    %select_n3A = arith.select %broadcast_in_dim3A_25, %slice3A_23, %slice3A_24 : vector<1024x32xi1>, vector<1024x32xf32>
    %broadcast_in_dim3A_26 = vector.shape_cast %eq3A_18 : vector<1024x1xi1> to vector<1024x1xi1>
    %broadcast_in_dim3A_27 = vector.broadcast %broadcast_in_dim3A_26 : vector<1024x1xi1> to vector<1024x32xi1>
    %select_n3A_28 = arith.select %broadcast_in_dim3A_27, %slice3A_19, %select_n3A : vector<1024x32xi1>, vector<1024x32xf32>
    %broadcast_in_dim3A_29 = vector.shape_cast %eq3A_15 : vector<1024x1xi1> to vector<1024x1xi1>
    %broadcast_in_dim3A_30 = vector.broadcast %broadcast_in_dim3A_29 : vector<1024x1xi1> to vector<1024x32xi1>
    %select_n3A_31 = arith.select %broadcast_in_dim3A_30, %slice3A, %select_n3A_28 : vector<1024x32xi1>, vector<1024x32xf32>
    %and3A_32 = arith.constant 3 : i32
    %and3A_33 = vector.broadcast %and3A_32 : i32 to vector<1024x1xi32>
    %and3A_34 = arith.andi %min3A_8, %and3A_33 : vector<1024x1xi32>
    %get3A_35 = arith.constant 0 : index
    %get3A_36 = arith.constant 0 : index
    %get3A_37 = vector.load %arg2[%get3A_35, %get3A_36] : memref<1024x128xf32, #tpu.memory_space<vmem>>, vector<1024x128xf32>
    %eq3A_38 = arith.constant 0 : i32
    %eq3A_39 = vector.broadcast %eq3A_38 : i32 to vector<1024x1xi32>
    %eq3A_40 = arith.cmpi eq, %and3A_34, %eq3A_39 : vector<1024x1xi32>
    %slice3A_41 = vector.extract_strided_slice %get3A_37 {offsets = [0, 0], sizes = [1024, 32], strides = [1, 1]} : vector<1024x128xf32> to vector<1024x32xf32>
    %eq3A_42 = arith.constant 1 : i32
    %eq3A_43 = vector.broadcast %eq3A_42 : i32 to vector<1024x1xi32>
    %eq3A_44 = arith.cmpi eq, %and3A_34, %eq3A_43 : vector<1024x1xi32>
    %slice3A_45 = vector.extract_strided_slice %get3A_37 {offsets = [0, 32], sizes = [1024, 32], strides = [1, 1]} : vector<1024x128xf32> to vector<1024x32xf32>
    %eq3A_46 = arith.constant 2 : i32
    %eq3A_47 = vector.broadcast %eq3A_46 : i32 to vector<1024x1xi32>
    %eq3A_48 = arith.cmpi eq, %and3A_34, %eq3A_47 : vector<1024x1xi32>
    %slice3A_49 = vector.extract_strided_slice %get3A_37 {offsets = [0, 64], sizes = [1024, 32], strides = [1, 1]} : vector<1024x128xf32> to vector<1024x32xf32>
    %slice3A_50 = vector.extract_strided_slice %get3A_37 {offsets = [0, 96], sizes = [1024, 32], strides = [1, 1]} : vector<1024x128xf32> to vector<1024x32xf32>
    %broadcast_in_dim3A_51 = vector.shape_cast %eq3A_48 : vector<1024x1xi1> to vector<1024x1xi1>
    %broadcast_in_dim3A_52 = vector.broadcast %broadcast_in_dim3A_51 : vector<1024x1xi1> to vector<1024x32xi1>
    %select_n3A_53 = arith.select %broadcast_in_dim3A_52, %slice3A_49, %slice3A_50 : vector<1024x32xi1>, vector<1024x32xf32>
    %broadcast_in_dim3A_54 = vector.shape_cast %eq3A_44 : vector<1024x1xi1> to vector<1024x1xi1>
    %broadcast_in_dim3A_55 = vector.broadcast %broadcast_in_dim3A_54 : vector<1024x1xi1> to vector<1024x32xi1>
    %select_n3A_56 = arith.select %broadcast_in_dim3A_55, %slice3A_45, %select_n3A_53 : vector<1024x32xi1>, vector<1024x32xf32>
    %broadcast_in_dim3A_57 = vector.shape_cast %eq3A_40 : vector<1024x1xi1> to vector<1024x1xi1>
    %broadcast_in_dim3A_58 = vector.broadcast %broadcast_in_dim3A_57 : vector<1024x1xi1> to vector<1024x32xi1>
    %select_n3A_59 = arith.select %broadcast_in_dim3A_58, %slice3A_41, %select_n3A_56 : vector<1024x32xi1>, vector<1024x32xf32>
    %ge3A = arith.constant 0 : i32
    %ge3A_60 = vector.broadcast %ge3A : i32 to vector<1024x1xi32>
    %ge3A_61 = arith.cmpi sge, %get3A_4, %ge3A_60 : vector<1024x1xi32>
    %slice3A_62 = vector.extract_strided_slice %select_n3A_59 {offsets = [0, 0], sizes = [1024, 4], strides = [1, 1]} : vector<1024x32xf32> to vector<1024x4xf32>
    %get3A_63 = arith.constant 0 : index
    %get3A_64 = arith.constant 0 : index
    %get3A_65 = vector.load %arg6[%get3A_63, %get3A_64] : memref<4x20xf32, #tpu.memory_space<vmem>>, vector<4x20xf32>
    %dot_general3A = arith.constant dense<0.000000e+00> : vector<1024x20xf32>
    %dot_general3A_66 = tpu.matmul %slice3A_62, %get3A_65, %dot_general3A {dimension_numbers = #tpu.dot_dimension_numbers<[1], [0], [0], [1], [0, 0, 1, 1], [], []>, precision = #tpu.contract_precision<fp32>, transpose_lhs_hint = false} : vector<1024x4xf32>, vector<4x20xf32>, vector<1024x20xf32> -> vector<1024x20xf32>
    %slice3A_67 = vector.extract_strided_slice %select_n3A_31 {offsets = [0, 0], sizes = [1024, 20], strides = [1, 1]} : vector<1024x32xf32> to vector<1024x20xf32>
    %broadcast_in_dim3A_68 = vector.shape_cast %ge3A_61 : vector<1024x1xi1> to vector<1024x1xi1>
    %broadcast_in_dim3A_69 = vector.broadcast %broadcast_in_dim3A_68 : vector<1024x1xi1> to vector<1024x20xi1>
    %select_n3A_70 = arith.select %broadcast_in_dim3A_69, %dot_general3A_66, %slice3A_67 : vector<1024x20xi1>, vector<1024x20xf32>
    %get3A_71 = arith.constant 0 : index
    %get3A_72 = arith.constant 0 : index
    %get3A_73 = vector.load %arg5[%get3A_71, %get3A_72] : memref<20x640xf32, #tpu.memory_space<vmem>>, vector<20x640xf32>
    %dot_general3A_74 = arith.constant dense<0.000000e+00> : vector<1024x640xf32>
    %dot_general3A_75 = tpu.matmul %select_n3A_70, %get3A_73, %dot_general3A_74 {dimension_numbers = #tpu.dot_dimension_numbers<[1], [0], [0], [1], [0, 0, 1, 1], [], []>, precision = #tpu.contract_precision<fp32>, transpose_lhs_hint = false} : vector<1024x20xf32>, vector<20x640xf32>, vector<1024x640xf32> -> vector<1024x640xf32>
    %get3A_76 = arith.constant 0 : index
    %get3A_77 = arith.constant 0 : index
    %get3A_78 = vector.load %arg7[%get3A_76, %get3A_77] : memref<1x640xf32, #tpu.memory_space<vmem>>, vector<1x640xf32>
    %mul3A = vector.broadcast %get3A_78 : vector<1x640xf32> to vector<1024x640xf32>
    %mul3A_79 = arith.mulf %dot_general3A_75, %mul3A : vector<1024x640xf32>
    %get3A_80 = arith.constant 0 : index
    %get3A_81 = arith.constant 0 : index
    %get3A_82 = vector.load %arg8[%get3A_80, %get3A_81] : memref<1x640xf32, #tpu.memory_space<vmem>>, vector<1x640xf32>
    %sub3A = vector.broadcast %get3A_82 : vector<1x640xf32> to vector<1024x640xf32>
    %sub3A_83 = arith.subf %mul3A_79, %sub3A : vector<1024x640xf32>
    %cos3A = math.cos %sub3A_83 : vector<1024x640xf32>
    %swap3A = arith.constant 0 : index
    %swap3A_84 = arith.constant 0 : index
    %swap3A_85 = vector.load %arg9[%swap3A, %swap3A_84] : memref<1024x645xf32, #tpu.memory_space<vmem>>, vector<1024x640xf32>
    tpu.vector_store %arg9[%swap3A, %swap3A_84], %cos3A {strides = array<i32>} : memref<1024x645xf32, #tpu.memory_space<vmem>>, vector<1024x640xf32>,
    %slice3A_86 = vector.extract_strided_slice %select_n3A_59 {offsets = [0, 4], sizes = [1024, 1], strides = [1, 1]} : vector<1024x32xf32> to vector<1024x1xf32>
    %slice3A_87 = vector.extract_strided_slice %select_n3A_31 {offsets = [0, 20], sizes = [1024, 5], strides = [1, 1]} : vector<1024x32xf32> to vector<1024x5xf32>
    %broadcast_in_dim3A_88 = vector.shape_cast %ge3A_61 : vector<1024x1xi1> to vector<1024x1xi1>
    %broadcast_in_dim3A_89 = vector.broadcast %broadcast_in_dim3A_88 : vector<1024x1xi1> to vector<1024x5xi1>
    %broadcast_in_dim3A_90 = vector.shape_cast %slice3A_86 : vector<1024x1xf32> to vector<1024x1xf32>
    %broadcast_in_dim3A_91 = vector.broadcast %broadcast_in_dim3A_90 : vector<1024x1xf32> to vector<1024x5xf32>
    %select_n3A_92 = arith.select %broadcast_in_dim3A_89, %broadcast_in_dim3A_91, %slice3A_87 : vector<1024x5xi1>, vector<1024x5xf32>
    %swap3A_93 = arith.constant 0 : index
    %swap3A_94 = arith.constant 640 : index
    %swap3A_95 = vector.load %arg9[%swap3A_93, %swap3A_94] : memref<1024x645xf32, #tpu.memory_space<vmem>>, vector<1024x5xf32>
    tpu.vector_store %arg9[%swap3A_93, %swap3A_94], %select_n3A_92 {strides = array<i32>} : memref<1024x645xf32, #tpu.memory_space<vmem>>, vector<1024x5xf32>,
    return
  }
  func.func @transform_0(%arg0: i32) -> (i32, i32) {
    %c0_i32 = arith.constant 0 : i32
    %c0_i32_0 = arith.constant 0 : i32
    return %arg0, %c0_i32 : i32, i32
  }
  func.func @transform_1(%arg0: i32) -> (i32, i32) {
    %c0_i32 = arith.constant 0 : i32
    %c0_i32_0 = arith.constant 0 : i32
    return %arg0, %c0_i32 : i32, i32
  }
  func.func @transform_2(%arg0: i32) -> (i32, i32) {
    %c0_i32 = arith.constant 0 : i32
    %c0_i32_0 = arith.constant 0 : i32
    return %arg0, %c0_i32 : i32, i32
  }
  func.func @transform_3(%arg0: i32) -> (i32, i32) {
    %c0_i32 = arith.constant 0 : i32
    %c0_i32_0 = arith.constant 0 : i32
    return %arg0, %c0_i32 : i32, i32
  }
  func.func @transform_4(%arg0: i32) -> (i32, i32) {
    %c0_i32 = arith.constant 0 : i32
    %c0_i32_0 = arith.constant 0 : i32
    %c0_i32_1 = arith.constant 0 : i32
    return %c0_i32, %c0_i32_0 : i32, i32
  }
  func.func @transform_5(%arg0: i32) -> (i32, i32) {
    %c0_i32 = arith.constant 0 : i32
    %c0_i32_0 = arith.constant 0 : i32
    %c0_i32_1 = arith.constant 0 : i32
    return %c0_i32, %c0_i32_0 : i32, i32
  }
  func.func @transform_6(%arg0: i32) -> (i32, i32) {
    %c0_i32 = arith.constant 0 : i32
    %c0_i32_0 = arith.constant 0 : i32
    %c0_i32_1 = arith.constant 0 : i32
    return %c0_i32, %c0_i32_0 : i32, i32
  }
  func.func @transform_7(%arg0: i32) -> (i32, i32) {
    %c0_i32 = arith.constant 0 : i32
    %c0_i32_0 = arith.constant 0 : i32
    %c0_i32_1 = arith.constant 0 : i32
    return %c0_i32, %c0_i32_0 : i32, i32
  }
  func.func @transform_8(%arg0: i32) -> (i32, i32) {
    %c0_i32 = arith.constant 0 : i32
    %c0_i32_0 = arith.constant 0 : i32
    return %arg0, %c0_i32 : i32, i32
  }
}

</mosaic_0001>

<sc_bundles>
// kernel: kernel.7.cloned.1.call-start
scs
__scs_entry_jumppad:
0x0: {  	(pc) =	sbr.rel $0x88, $3  }
0x1: {  	(tag) =	ssettag $0x0;
	lr =	simm.s32 $0x1  }
0x2: {  	[smem:$0x3F9C] =	sst lr;
	_ =	strace $0xD0000000  }
0x3: {  	_ = 	snop  }
0x4: {  	_ = 	snop  }
0x5: {  	_ = 	snop  }
0x6: {  	_ = 	snop  }
0x7: {  	_ = 	snop  }
__scs_overlays_trampoline_lowered:
0x8: {  	[smem:$0x3FAB] =	sst s0  }
0x9: {  	[smem:$0x3FAC] =	sst s1  }
0xa: {  	[smem:$0x3FAD] =	sst s2  }
0xb: {  	[smem:$0x3FAE] =	sst s3  }
0xc: {  	[smem:$0x3FAF] =	sst s4  }
0xd: {  	[smem:$0x3FB0] =	sst s5  }
0xe: {  	[smem:$0x3FB1] =	sst s6  }
0xf: {  	[smem:$0x3FB2] =	sst s7  }
0x10: {  	[smem:$0x3FB3] =	sst s8  }
0x11: {  	[smem:$0x3FB4] =	sst s9;
	s0 =	simm.s32 @!p0 $0x0  }
0x12: {  	s1 =	sld [smem:$0x3F9A];
	s0 =	simm.s32 @p0 $0x1  }
0x13: {  	[smem:$0x3FB5] =	sst s0;
	s0 =	simm.s32 @!p1 $0x0  }
0x14: {  	s2 =	sld [smem:$0x3F99];
	s0 =	simm.s32 @p1 $0x1  }
0x15: {  	[smem:$0x3FB6] =	sst s0;
	s0 =	simm.s32 @!p2 $0x0  }
0x16: {  	s3 =	sld [smem:$0x3FDB];
	s0 =	simm.s32 @p2 $0x1  }
0x17: {  	s4 =	simm.s32 $0x1BF5;
	[smem:$0x3FB8] =	sst s0  }
0x18: {  	s0 =	sld [smem:$0x3F9B];
	_ =	swait.ge [sflag:s4], $0x0  }
0x19: {  	s7 =	sld [smem:$0x3F9C]  }
0x1a: {  	s8 =	sadd.s32 $0xFFFFE003, lr  }
0x1b: {  	s9 =	sadd.s32 $0xFFFFFEF7, lr;
	s5 =	simm.s32 $0xFFFFFFFF;
	p2 =	slt.u32 s8, $0xFFFFF086  }
0x1c: {  	p1 =	slt.u32 s9, $0xF7A;
	s5 =	simm.s32 @!p2 $0x0  }
0x1d: {  	s5 =	simm.s32 @p1 $0x1;
	p0 =	seq.s32 s7, s2  }
0x1e: {  	s7 =	smul.u32 @!p0 $0xF7A, s2;
	p2 =	seq.s32 @!p0 s5, $0x0  }
0x1f: {  	s9 =	smul.u32 $0xF7A, s1;
	s8 =	simm.s32 @!p0 $0x1BF5;
	p2 =	por !p2, p0  }
0x20: {  	[sflag:s8] =	ssyncset.s32 @!p0 $0xFFFFF086;
	s6 =	sadd.s32 @!p0 s3, s7;
	s7 =	simm.s32 @!p0 $0x108  }
0x21: {  	s3 =	sadd.s32 s3, s9;
	s6 =	sadd.s32 @!p0 $0x88, s6;
	s7 =	simm.s32 @p2 $0x1082  }
0x22: {  	[simem:s7], [sflag:s8] =	dma.local @!p0 [hbm:s6], $0xF7A  }
0x23: {  	s9 =	sor.u32 $0xD0000000, s2;
	s6 =	simm.s32 $0x108;
	_ =	swait.ge @!p0 [sflag:s8], $0x0  }
0x24: {  	s3 =	sadd.s32 $0x88, s3;
	s6 =	simm.s32 @!p1 $0x1082;
	[sflag:s4] =	ssyncset.s32 $0xFFFFF086  }
0x25: {  	[simem:s6], [sflag:s4] =	dma.local [hbm:s3], $0xF7A  }
0x26: {  	[smem:$0x3F9C] =	sst s1;
	(tag) =	ssettag s2;
	_ =	strace s9  }
0x27: {  	s1 =	sld [smem:$0x3FAC]  }
0x28: {  	s2 =	sld [smem:$0x3FAD]  }
0x29: {  	s4 =	sld [smem:$0x3FAF]  }
0x2a: {  	p0 =	seq.s32 s5, $0x0;
	s5 =	sld [smem:$0x3FB0]  }
0x2b: {  	s6 =	sld [smem:$0x3FB1]  }
0x2c: {  	s7 =	sld [smem:$0x3FB2]  }
0x2d: {  	s3 =	simm.s32 $0x108;
	s8 =	sld [smem:$0x3FB3]  }
0x2e: {  	s3 =	simm.s32 @!p0 $0x1082;
	s9 =	sld [smem:$0x3FB4]  }
0x2f: {  	lr =	sadd.s32 s0, s3;
	s0 =	sld [smem:$0x3FAB]  }
0x30: {  	s3 =	sld [smem:$0x3FAE]  }
0x31: {  	[smem:$0x3FB7] =	sst s10  }
0x32: {  	s10 =	sld [smem:$0x3FB5];
	_ =	sdelay $0x3  }
0x33: {  	p0 =	seq.s32 s10, $0x1;
	s10 =	sld [smem:$0x3FB7];
	_ =	sdelay $0x3  }
0x34: {  	[smem:$0x3FB7] =	sst s10  }
0x35: {  	s10 =	sld [smem:$0x3FB6];
	_ =	sdelay $0x3  }
0x36: {  	p1 =	seq.s32 s10, $0x1;
	s10 =	sld [smem:$0x3FB7];
	_ =	sdelay $0x3  }
0x37: {  	[smem:$0x3FB7] =	sst s10  }
0x38: {  	s10 =	sld [smem:$0x3FB8]  }
0x39: {  	_ = 	snop;
	(pc) =	sbr.ind lr, $3  }
0x3a: {  	_ = 	snop  }
0x3b: {  	_ = 	snop  }
0x3c: {  	p2 =	seq.s32 s10, $0x1;
	s10 =	sld [smem:$0x3FB7]  }
0x3d: {  	_ =	shalt  }
0x3e: {  	_ =	shalt  }
0x3f: {  	_ =	shalt  }
0x40: {  	_ =	shalt  }
0x41: {  	_ =	shalt  }
0x42: {  	_ =	shalt  }
0x43: {  	_ =	shalt  }
0x44: {  	_ =	shalt  }
0x45: {  	_ =	shalt  }
0x46: {  	_ =	shalt  }
0x47: {  	_ =	shalt  }
0x48: {  	_ =	shalt  }
0x49: {  	_ =	shalt  }
0x4a: {  	_ =	shalt  }
0x4b: {  	_ =	shalt  }
0x4c: {  	_ =	shalt  }
0x4d: {  	_ =	shalt  }
0x4e: {  	_ =	shalt  }
0x4f: {  	_ =	shalt  }
0x50: {  	_ =	shalt  }
0x51: {  	_ =	shalt  }
0x52: {  	_ =	shalt  }
0x53: {  	_ =	shalt  }
0x54: {  	_ =	shalt  }
0x55: {  	_ =	shalt  }
0x56: {  	_ =	shalt  }
0x57: {  	_ =	shalt  }
0x58: {  	_ =	shalt  }
0x59: {  	_ =	shalt  }
0x5a: {  	_ =	shalt  }
0x5b: {  	_ =	shalt  }
0x5c: {  	_ =	shalt  }
0x5d: {  	_ =	shalt  }
0x5e: {  	_ =	shalt  }
0x5f: {  	_ =	shalt  }
0x60: {  	_ =	shalt  }
0x61: {  	_ =	shalt  }
0x62: {  	_ =	shalt  }
0x63: {  	_ =	shalt  }
0x64: {  	_ =	shalt  }
0x65: {  	_ =	shalt  }
0x66: {  	_ =	shalt  }
0x67: {  	_ =	shalt  }
0x68: {  	_ =	shalt  }
0x69: {  	_ =	shalt  }
0x6a: {  	_ =	shalt  }
0x6b: {  	_ =	shalt  }
0x6c: {  	_ =	shalt  }
0x6d: {  	_ =	shalt  }
0x6e: {  	_ =	shalt  }
0x6f: {  	_ =	shalt  }
0x70: {  	_ =	shalt  }
0x71: {  	_ =	shalt  }
0x72: {  	_ =	shalt  }
0x73: {  	_ =	shalt  }
0x74: {  	_ =	shalt  }
0x75: {  	_ =	shalt  }
0x76: {  	_ =	shalt  }
0x77: {  	_ =	shalt  }
0x78: {  	_ =	shalt  }
0x79: {  	_ =	shalt  }
0x7a: {  	_ =	shalt  }
0x7b: {  	_ =	shalt  }
0x7c: {  	_ =	shalt  }
0x7d: {  	_ =	shalt  }
0x7e: {  	_ =	shalt  }
0x7f: {  	_ =	shalt  }
0x80: {  	_ =	shalt  }
0x81: {  	_ =	shalt  }
0x82: {  	_ =	shalt  }
0x83: {  	_ =	shalt  }
0x84: {  	_ =	shalt  }
0x85: {  	_ =	shalt  }
0x86: {  	_ =	shalt  }
0x87: {  	_ =	shalt  }
.Lfunc_end0:
.L_simem_size_0:
called_computation_lowered:
.L_overlay_start_0:
0x88: {  	s2 =	sld [smem:$0x3FD9]  }
0x89: {  	s3 =	sld [smem:$0x3FFE];
	_ =	sdelay $0x1  }
0x8a: {  	s1 =	srdreg.scid  }
0x8b: {  	s0 =	sand.u32 $0x1, s1  }
0x8c: {  	s17 =	sshll.u32 s0, $0xA;
	s2 =	sadd.s32 s3, s2  }
0x8d: {  	s2 =	sadd.s32 s2, s17  }
0x8e: {  	[smem:$0x3FC3] =	sst s2  }
0x8f: {  	_ = 	snop  }
0x90: {  	s2 =	sld [smem:$0x3FC5];
	(tm) =	ssettm $0x1  }
0x91: {  	s18 =	sld [smem:$0x3FFB];
	_ =	sdelay $0x3  }
0x92: {  	_ =	strace s18  }
0x93: {  	s3 =	sld [smem:$0x3FFC];
	_ =	sdelay $0x3  }
0x94: {  	_ =	strace s3  }
0x95: {  	s3 =	sld [smem:$0x3FFD];
	_ =	sdelay $0x3  }
0x96: {  	_ =	strace s3  }
0x97: {  	_ =	strace $0x8FFFFFFF  }
0x98: {  	s19 =	sld [smem:$0x3FDB];
	_ =	sdelay $0x1  }
0x99: {  	s4 =	simm.s32 $_scs_section_size  }
0x9a: {  	s5 =	simm.s32 $_size__tile_overlayer_lowered;
	s6 =	simm.s32 $_tile_overlayer_lowered  }
0x9b: {  	s22 =	simm.s32 $0x1BFF;
	s21 =	sshll.u32 s6, $0x1;
	s3 =	sadd.s32 s4, s19  }
0x9c: {  	s7 =	simm.s32 $0x0;
	s20 =	sshll.u32 s5, $0x1;
	s5 =	sadd.s32 s21, s3  }
0x9d: {  	[timem:s7], [sflag:s22] =	dma.local [hbm:s5], s20  }
0x9e: {  	_ =	swait.ge [sflag:s22], s20  }
0x9f: {  	s4 =	ssub.s32 $0x0, s20;
	[sflag:s22] =	ssyncset.done $0x0  }
0xa0: {  	[sflag:s22] =	ssyncadd.s32 s4;
	_ =	sdelay $0x1  }
0xa1: {  	s23 =	simm.s32 $0x1B8B  }
0xa2: {  	_ =	swait.ge [sflag:s23], $0x1  }
0xa3: {  	[sflag:s23] =	ssyncset.done $0x0  }
0xa4: {  	s25 =	simm.s32 $0x1B8E;
	s24 =	sld [smem:$0x3FFE];
	[sflag:s23] =	ssyncadd.s32 $0xFFFFFFFF  }
0xa5: {  	s26 =	simm.s32 $execute0_lowered;
	[smem:$0x3FD2] =	sst s25  }
0xa6: {  	s5 =	sshll.u32 s26, $0x1;
	_ =	strace $0x80000046;
	[dreg:$0x1] =	wrdreg $0xFFFFFFFF  }
0xa7: {  	s28 =	simm.s32 $_size_execute0_lowered;
	s3 =	sadd.s32 s3, s5;
	[dreg:$0x0] =	wrdreg $0x0  }
0xa8: {  	s5 =	sshll.u32 s28, $0x1;
	[dreg:$0x2] =	wrdreg s3  }
0xa9: {  	[dreg:$0x3] =	wrdreg s5  }
0xaa: {  	[dreg:$0x4] =	wrdreg $0xC0  }
0xab: {  	_ =	task [dreg:s7], $0x5FFFF  }
0xac: {  	[dreg:$0x1] =	wrdreg $0xFFFFFFFF  }
0xad: {  	[dreg:$0x0] =	wrdreg $0x60  }
0xae: {  	[dreg:$0x2] =	wrdreg s24  }
0xaf: {  	[dreg:$0x3] =	wrdreg s2  }
0xb0: {  	[dreg:$0x4] =	wrdreg $0x9  }
0xb1: {  	_ =	task.clear_ibuf [dreg:s7], $0x5FFFF;
	_ =	strace $0x90000046  }
0xb2: {  	s29 =	simm.s32 $0x9;
	_ =	strace $0x80000048  }
0xb3: {  	_ =	swait.ge [sflag:s29], $0x1  }
0xb4: {  	[sflag:s29] =	ssyncadd.s32 $0xFFFFFFFF  }
0xb5: {  	_ =	strace $0x90000048  }
0xb6: {  	_ =	sfence  }
0xb7: {  	s30 =	sld [smem:$0x0];
	_ =	sdelay $0x2  }
0xb8: {  	s31 =	sshll.u32 s1, $0xD;
	s1 =	sshrl.u32 s1, $0x2  }
0xb9: {  	s3 =	sand.u32 $0x4000, s31;
	s1 =	sadd.s32 s1, s30  }
0xba: {  	s0 =	sor.u32 s3, s0;
	s1 =	sshll.u32 s1, $0x11  }
0xbb: {  	s0 =	sor.u32 s1, s0  }
0xbc: {  	s0 =	sadd.s32 $0x8F2B, s0  }
0xbd: {  	[sflag:s0] =	ssyncadd.remote.s32 $0x1  }
0xbe: {  	_ =	sfence.sel $0xFFFF  }
0xbf: {  	[dreg:$0x0] =	wrdreg $0xFFFFFFFF;
	(pc) =	sbr.abs _section_cstart, $3  }
0xc0: {  	[dreg:$0x1] =	wrdreg $0xFFFFFFFF  }
0xc1: {  	_ =	task.clear_ibuf [dreg:s7], $0x2FFFF;
	_ =	strace $0x9FFFFFFF  }
0xc2: {  	(tm) =	ssettm $0x7FFFFFFF  }
0xc3: {  	_ =	shalt  }
tec
execute0_lowered:
.L_overlay_start_1:
0x0: {  	(tag) =	ssettag $0x1  }
0x1: {  	s5 =	rddreg [dreg:$0x0]  }
0x2: {  	s6 =	rddreg [dreg:$0x1];
	s2 =	srdreg.scid  }
0x3: {  	s0 =	rddreg [dreg:$0x2];
	s1 =	stileid.u32  }
0x4: {  	s18 =	simm.s32 $0x80;
	s19 =	simm.s32 $0x400;
	s20 =	simm.s32 $0x800  }
0x5: {  	s21 =	simm.s32 $0x600;
	s22 =	simm.s32 $0x4800;
	s23 =	simm.s32 $0x1  }
0x6: {  	s24 =	simm.s32 $0x480;
	s25 =	simm.s32 $0x680;
	s28 =	simm.s32 $0x700  }
0x7: {  	s29 =	simm.s32 $0x580;
	s30 =	simm.s32 $0x780;
	s7 =	sand.u32 $0x1, s2  }
0x8: {  	s2 =	simm.s32 $0x0;
	s3 =	sshll.u32 s1, $0xA;
	s13 =	sadd.s32 $0x423A00, s5  }
0x9: {  	s14 =	sadd.s32 $0x463A00, s5;
	s4 =	sshll.u32 s7, $0x9;
	[smem:$0x7FF] =	sst s2  }
0xa: {  	s7 =	ssub.s32 $0x2, s7;
	s8 =	sor.u32 s4, s3;
	_ =	strace $0x80000047  }
0xb: {  	s3 =	sadd.s32 $0x53000, s5;
	s4 =	sadd.s32 $0x2800, s5;
	s26 =	sshrl.u32 s7, $0x1  }
0xc: {  	s9 =	sshrl.u32 s8, $0x3;
	s15 =	ssub.s32 s7, s26;
	s12 =	sshll.u32 s8, $0x4  }
0xd: {  	s26 =	simm.s32 $0x500;
	s10 =	sadd.s32 s9, s5;
	s5 =	sadd.s32 s6, s9  }
0xe: {  	s7 =	sadd.s32 s13, s12;
	s31 =	sor.u32 $0x800, s12;
	s8 =	sadd.s32 s14, s12  }
0xf: {  	s16 =	sor.u32 $0x1000, s12;
	s17 =	sor.u32 $0x1800, s12;
	s15 =	smax.u32 s15, $0x1  }
0x10: {  	s6 =	sadd.s32 $0x52800, s10;
	s9 =	sadd.s32 s13, s31;
	s10 =	sadd.s32 s14, s31  }
0x11: {  	s11 =	sadd.s32 s13, s16;
	s12 =	sadd.s32 s14, s16;
	s13 =	sadd.s32 s13, s17  }
0x12: {  	s14 =	sadd.s32 s14, s17;
	s16 =	simm.s32 $0x2;
	s17 =	simm.s32 $0x200  }
.LBB2_1:
0x13: {  	[tilespmem:s2], [sflag:$0x2] =	stream.linear.gather [hbm4b:s5+s2], $0x200, $0x38;
	[tilespmem:$0x8800] =	vst v63  }
0x14: {  	_ =	swait.ge [sflag:s16], $0x200  }
0x15: {  	[sflag:s16] =	ssyncset.done $0x0  }
0x16: {  	[sflag:s16] =	ssyncadd.s32 $0xFFFFFE00  }
0x17: {  	[tilespmem:s17], [sflag:$0x2] =	stream.linear.gather [hbm4b:s6+s2], $0x200, $0x38;
	[tilespmem:$0x8800] =	vst v63  }
0x18: {  	_ =	swait.ge [sflag:s16], $0x200  }
0x19: {  	[sflag:s16] =	ssyncset.done $0x0  }
0x1a: {  	[sflag:s16] =	ssyncadd.s32 $0xFFFFFE00  }
0x1b: {  	v0 =	vld [tilespmem:$0x200]  }
0x1c: {  	v1 =	vld [tilespmem:$0x0]  }
0x1d: {  	v2 =	vld [tilespmem:$0x210]  }
0x1e: {  	v3 =	vld [tilespmem:$0x10]  }
0x1f: {  	v4 =	vld [tilespmem:$0x220]  }
0x20: {  	v5 =	vld [tilespmem:$0x20]  }
0x21: {  	v6 =	vld [tilespmem:$0x230]  }
0x22: {  	v7 =	vld [tilespmem:$0x30]  }
0x23: {  	v28 =	vld [tilespmem:$0x240]  }
0x24: {  	v31 =	vld [tilespmem:$0x40]  }
0x25: {  	v33 =	vld [tilespmem:$0x250]  }
0x26: {  	v36 =	vld [tilespmem:$0x50]  }
0x27: {  	v38 =	vld [tilespmem:$0x260]  }
0x28: {  	v41 =	vld [tilespmem:$0x60]  }
0x29: {  	v43 =	vld [tilespmem:$0x270]  }
0x2a: {  	v46 =	vld [tilespmem:$0x70];
	v1 =	vshrl.u32 v1, $0x2  }
0x2b: {  	v48 =	vld [tilespmem:$0x280];
	v30 =	vshrl.u32 v3, $0x2;
	[tilespmem:$0x400] =	vst v1  }
0x2c: {  	v51 =	vld [tilespmem:$0x80];
	v35 =	vshrl.u32 v5, $0x2;
	[tilespmem:$0x410] =	vst v30  }
0x2d: {  	v53 =	vld [tilespmem:$0x290];
	v40 =	vshrl.u32 v7, $0x2;
	[tilespmem:$0x420] =	vst v35  }
0x2e: {  	v56 =	vld [tilespmem:$0x90];
	v45 =	vshrl.u32 v31, $0x2;
	[tilespmem:$0x430] =	vst v40  }
0x2f: {  	v61 =	vld [tilespmem:$0xA0];
	v50 =	vshrl.u32 v36, $0x2;
	[tilespmem:$0x440] =	vst v45  }
0x30: {  	v10 =	vld [tilespmem:$0xB0];
	v55 =	vshrl.u32 v41, $0x2;
	[tilespmem:$0x450] =	vst v50  }
0x31: {  	v58 =	vld [tilespmem:$0x2A0];
	v60 =	vshrl.u32 v46, $0x2;
	[tilespmem:$0x460] =	vst v55  }
0x32: {  	v63 =	vld [tilespmem:$0x2B0];
	v9 =	vshrl.u32 v51, $0x2;
	[tilespmem:$0x470] =	vst v60  }
0x33: {  	v15 =	vld [tilespmem:$0xC0];
	vm0 =	vgt.s32 v0, $0x0;
	v14 =	vshrl.u32 v56, $0x2;
	[tilespmem:$0x480] =	vst v9  }
0x34: {  	v12 =	vld [tilespmem:$0x2C0];
	vm9 =	vgt.s32 v2, $0x0;
	v19 =	vshrl.u32 v61, $0x2;
	v0 =	vnsel vm0, $0x0, v0;
	[tilespmem:$0x490] =	vst v14  }
0x35: {  	v20 =	vld [tilespmem:$0xD0];
	v24 =	vshrl.u32 v10, $0x2;
	v27 =	vnsel vm9, $0x0, v2;
	[tilespmem:$0x4A0] =	vst v19;
	v0 =	vmin.u32 v0, $0x3FFF  }
0x36: {  	v17 =	vld [tilespmem:$0x2D0];
	vm10 =	vgt.s32 v4, $0x0;
	[tilespmem:$0x4B0] =	vst v24;
	v29 =	vmin.u32 v27, $0x3FFF;
	v0 =	vshrl.u32 v0, $0x2  }
0x37: {  	v25 =	vld [tilespmem:$0xE0];
	v32 =	vnsel vm10, $0x0, v4;
	[tilespmem:$0x600] =	vst v0;
	v0 =	vshrl.u32 v29, $0x2  }
0x38: {  	v22 =	vld [tilespmem:$0x2E0];
	vm11 =	vgt.s32 v6, $0x0;
	v34 =	vmin.u32 v32, $0x3FFF;
	v29 =	vshrl.u32 v15, $0x2;
	[tilespmem:$0x610] =	vst v0  }
0x39: {  	v37 =	vnsel vm11, $0x0, v6;
	v30 =	vld [tilespmem:$0xF0];
	v0 =	vshrl.u32 v34, $0x2;
	[tilespmem:$0x4C0] =	vst v29  }
0x3a: {  	vm12 =	vgt.s32 v28, $0x0;
	v35 =	vld [tilespmem:$0x100];
	v39 =	vmin.u32 v37, $0x3FFF;
	v34 =	vshrl.u32 v20, $0x2;
	[tilespmem:$0x620] =	vst v0  }
0x3b: {  	v42 =	vnsel vm12, $0x0, v28;
	v40 =	vld [tilespmem:$0x110];
	v0 =	vshrl.u32 v39, $0x2;
	[tilespmem:$0x4D0] =	vst v34  }
0x3c: {  	vm13 =	vgt.s32 v33, $0x0;
	v45 =	vld [tilespmem:$0x120];
	v44 =	vmin.u32 v42, $0x3FFF;
	v39 =	vshrl.u32 v25, $0x2;
	[tilespmem:$0x630] =	vst v0  }
0x3d: {  	v47 =	vnsel vm13, $0x0, v33;
	v50 =	vld [tilespmem:$0x130];
	v0 =	vshrl.u32 v44, $0x2;
	[tilespmem:$0x4E0] =	vst v39  }
0x3e: {  	vm14 =	vgt.s32 v38, $0x0;
	v55 =	vld [tilespmem:$0x140];
	v49 =	vmin.u32 v47, $0x3FFF;
	v44 =	vshrl.u32 v30, $0x2;
	[tilespmem:$0x640] =	vst v0  }
0x3f: {  	v52 =	vnsel vm14, $0x0, v38;
	v60 =	vld [tilespmem:$0x150];
	v0 =	vshrl.u32 v49, $0x2;
	[tilespmem:$0x4F0] =	vst v44  }
0x40: {  	vm15 =	vgt.s32 v43, $0x0;
	v9 =	vld [tilespmem:$0x160];
	v54 =	vmin.u32 v52, $0x3FFF;
	v49 =	vshrl.u32 v35, $0x2;
	[tilespmem:$0x650] =	vst v0  }
0x41: {  	v57 =	vnsel vm15, $0x0, v43;
	v14 =	vld [tilespmem:$0x170];
	v0 =	vshrl.u32 v54, $0x2;
	[tilespmem:$0x500] =	vst v49  }
0x42: {  	vm4 =	vgt.s32 v48, $0x0;
	v19 =	vld [tilespmem:$0x180];
	v59 =	vmin.u32 v57, $0x3FFF;
	v54 =	vshrl.u32 v40, $0x2;
	[tilespmem:$0x660] =	vst v0  }
0x43: {  	v62 =	vnsel vm4, $0x0, v48;
	v24 =	vld [tilespmem:$0x190];
	v0 =	vshrl.u32 v59, $0x2;
	[tilespmem:$0x510] =	vst v54  }
0x44: {  	vm5 =	vgt.s32 v53, $0x0;
	v8 =	vmin.u32 v62, $0x3FFF;
	v27 =	vld [tilespmem:$0x2F0];
	v59 =	vshrl.u32 v45, $0x2;
	[tilespmem:$0x670] =	vst v0  }
0x45: {  	v11 =	vnsel vm5, $0x0, v53;
	v57 =	vld [tilespmem:$0x350];
	v0 =	vshrl.u32 v8, $0x2;
	[tilespmem:$0x520] =	vst v59  }
0x46: {  	vm6 =	vgt.s32 v58, $0x0;
	v13 =	vmin.u32 v11, $0x3FFF;
	v44 =	vld [tilespmem:$0x1D0];
	v8 =	vshrl.u32 v50, $0x2;
	[tilespmem:$0x680] =	vst v0  }
0x47: {  	v16 =	vnsel vm6, $0x0, v58;
	v32 =	vld [tilespmem:$0x300];
	v0 =	vshrl.u32 v13, $0x2;
	[tilespmem:$0x530] =	vst v8  }
0x48: {  	v18 =	vmin.u32 v16, $0x3FFF;
	v37 =	vld [tilespmem:$0x310];
	v13 =	vshrl.u32 v55, $0x2;
	[tilespmem:$0x690] =	vst v0  }
0x49: {  	vm7 =	vgt.s32 v63, $0x0;
	vm8 =	vgt.s32 v12, $0x0;
	v49 =	vld [tilespmem:$0x1E0];
	v0 =	vshrl.u32 v18, $0x2;
	[tilespmem:$0x540] =	vst v13  }
0x4a: {  	v21 =	vnsel vm7, $0x0, v63;
	v42 =	vld [tilespmem:$0x320];
	vm5 =	vgt.s32 v57, $0x0;
	v18 =	vshrl.u32 v60, $0x2;
	[tilespmem:$0x6A0] =	vst v0  }
0x4b: {  	v23 =	vmin.u32 v21, $0x3FFF;
	v47 =	vld [tilespmem:$0x330];
	v15 =	vnsel vm5, $0x0, v57;
	v57 =	vshrl.u32 v44, $0x2;
	[tilespmem:$0x550] =	vst v18  }
0x4c: {  	v26 =	vnsel vm8, $0x0, v12;
	vm9 =	vgt.s32 v17, $0x0;
	v52 =	vld [tilespmem:$0x340];
	v0 =	vshrl.u32 v23, $0x2;
	[tilespmem:$0x5D0] =	vst v57  }
0x4d: {  	vm10 =	vgt.s32 v22, $0x0;
	v28 =	vmin.u32 v26, $0x3FFF;
	v62 =	vld [tilespmem:$0x360];
	v23 =	vshrl.u32 v9, $0x2;
	[tilespmem:$0x6B0] =	vst v0  }
0x4e: {  	v31 =	vnsel vm9, $0x0, v17;
	v36 =	vnsel vm10, $0x0, v22;
	v11 =	vld [tilespmem:$0x370];
	v60 =	vshrl.u32 v49, $0x2;
	[tilespmem:$0x560] =	vst v23  }
0x4f: {  	v16 =	vld [tilespmem:$0x380];
	v33 =	vmin.u32 v31, $0x3FFF;
	v38 =	vmin.u32 v36, $0x3FFF;
	v0 =	vshrl.u32 v28, $0x2;
	[tilespmem:$0x5E0] =	vst v60  }
0x50: {  	v21 =	vld [tilespmem:$0x390];
	vm11 =	vgt.s32 v27, $0x0;
	vm12 =	vgt.s32 v32, $0x0;
	v28 =	vshrl.u32 v14, $0x2;
	[tilespmem:$0x6C0] =	vst v0  }
0x51: {  	v29 =	vld [tilespmem:$0x1A0];
	vm13 =	vgt.s32 v37, $0x0;
	vm14 =	vgt.s32 v42, $0x0;
	v0 =	vshrl.u32 v33, $0x2;
	[tilespmem:$0x570] =	vst v28  }
0x52: {  	v26 =	vld [tilespmem:$0x3A0];
	vm15 =	vgt.s32 v47, $0x0;
	vm4 =	vgt.s32 v52, $0x0;
	v33 =	vshrl.u32 v19, $0x2;
	[tilespmem:$0x6D0] =	vst v0  }
0x53: {  	v34 =	vld [tilespmem:$0x1B0];
	vm6 =	vgt.s32 v62, $0x0;
	v41 =	vnsel vm11, $0x0, v27;
	v0 =	vshrl.u32 v38, $0x2;
	[tilespmem:$0x580] =	vst v33  }
0x54: {  	vm7 =	vgt.s32 v11, $0x0;
	v43 =	vmin.u32 v41, $0x3FFF;
	v38 =	vshrl.u32 v24, $0x2;
	[tilespmem:$0x6E0] =	vst v0  }
0x55: {  	vm8 =	vgt.s32 v16, $0x0;
	v39 =	vld [tilespmem:$0x1C0];
	v46 =	vnsel vm12, $0x0, v32;
	v0 =	vshrl.u32 v43, $0x2;
	[tilespmem:$0x590] =	vst v38  }
0x56: {  	vm9 =	vgt.s32 v21, $0x0;
	v48 =	vmin.u32 v46, $0x3FFF;
	v43 =	vshrl.u32 v29, $0x2;
	[tilespmem:$0x6F0] =	vst v0  }
0x57: {  	v31 =	vld [tilespmem:$0x3B0];
	vm10 =	vgt.s32 v26, $0x0;
	v51 =	vnsel vm13, $0x0, v37;
	v0 =	vshrl.u32 v48, $0x2;
	[tilespmem:$0x5A0] =	vst v43  }
0x58: {  	v56 =	vnsel vm14, $0x0, v42;
	v53 =	vmin.u32 v51, $0x3FFF;
	v55 =	vld [tilespmem:$0x1F0];
	v48 =	vshrl.u32 v34, $0x2;
	[tilespmem:$0x700] =	vst v0  }
0x59: {  	v36 =	vld [tilespmem:$0x3C0];
	v61 =	vnsel vm15, $0x0, v47;
	v10 =	vnsel vm4, $0x0, v52;
	v0 =	vshrl.u32 v53, $0x2;
	[tilespmem:$0x5B0] =	vst v48  }
0x5a: {  	v20 =	vnsel vm6, $0x0, v62;
	v58 =	vmin.u32 v56, $0x3FFF;
	v53 =	vshrl.u32 v39, $0x2;
	[tilespmem:$0x710] =	vst v0  }
0x5b: {  	v25 =	vnsel vm7, $0x0, v11;
	v63 =	vmin.u32 v61, $0x3FFF;
	v0 =	vshrl.u32 v58, $0x2;
	[tilespmem:$0x5C0] =	vst v53  }
0x5c: {  	v30 =	vnsel vm8, $0x0, v16;
	v35 =	vnsel vm9, $0x0, v21;
	[tilespmem:$0x720] =	vst v0;
	v0 =	vshrl.u32 v63, $0x2  }
0x5d: {  	vm11 =	vgt.s32 v31, $0x0;
	v12 =	vmin.u32 v10, $0x3FFF;
	v63 =	vshrl.u32 v55, $0x2;
	[tilespmem:$0x730] =	vst v0  }
0x5e: {  	vm12 =	vgt.s32 v36, $0x0;
	v17 =	vmin.u32 v15, $0x3FFF;
	v41 =	vld [tilespmem:$0x3D0];
	v0 =	vshrl.u32 v12, $0x2;
	[tilespmem:$0x5F0] =	vst v63  }
0x5f: {  	v22 =	vmin.u32 v20, $0x3FFF;
	v27 =	vmin.u32 v25, $0x3FFF;
	v46 =	vld [tilespmem:$0x3E0];
	[tilespmem:$0x740] =	vst v0;
	v0 =	vshrl.u32 v17, $0x2  }
0x60: {  	v32 =	vmin.u32 v30, $0x3FFF;
	v40 =	vnsel vm10, $0x0, v26;
	v51 =	vld [tilespmem:$0x3F0];
	[tilespmem:$0x750] =	vst v0;
	v0 =	vshrl.u32 v22, $0x2  }
0x61: {  	v37 =	vmin.u32 v35, $0x3FFF;
	v42 =	vmin.u32 v40, $0x3FFF;
	[tilespmem:$0x760] =	vst v0;
	v0 =	vshrl.u32 v27, $0x2  }
0x62: {  	v45 =	vnsel vm11, $0x0, v31;
	v50 =	vnsel vm12, $0x0, v36;
	[tilespmem:$0x770] =	vst v0;
	v0 =	vshrl.u32 v32, $0x2  }
0x63: {  	v47 =	vmin.u32 v45, $0x3FFF;
	v52 =	vmin.u32 v50, $0x3FFF;
	[tilespmem:$0x780] =	vst v0;
	v0 =	vshrl.u32 v37, $0x2  }
0x64: {  	vm13 =	vgt.s32 v41, $0x0;
	vm14 =	vgt.s32 v46, $0x0;
	[tilespmem:$0x790] =	vst v0;
	v0 =	vshrl.u32 v42, $0x2  }
0x65: {  	vm15 =	vgt.s32 v51, $0x0;
	v54 =	vnsel vm13, $0x0, v41;
	[tilespmem:$0x7A0] =	vst v0;
	v0 =	vshrl.u32 v47, $0x2  }
0x66: {  	v56 =	vmin.u32 v54, $0x3FFF;
	v58 =	vnsel vm14, $0x0, v46;
	[tilespmem:$0x7B0] =	vst v0;
	v0 =	vshrl.u32 v52, $0x2  }
0x67: {  	v61 =	vnsel vm15, $0x0, v51;
	v59 =	vmin.u32 v58, $0x3FFF;
	[tilespmem:$0x7C0] =	vst v0;
	v0 =	vshrl.u32 v56, $0x2  }
0x68: {  	v62 =	vmin.u32 v61, $0x3FFF;
	[tilespmem:$0x7D0] =	vst v0;
	v0 =	vshrl.u32 v59, $0x2  }
0x69: {  	[tilespmem:$0x7E0] =	vst v0;
	v0 =	vshrl.u32 v62, $0x2  }
0x6a: {  	[tilespmem:$0x7F0] =	vst v0  }
0x6b: {  	[tilespmem:s20], [sflag:$0x1] =	stream.indirect.gather [hbm4b:s3+s18], $0x80, s19, s18, $0xb8;
	[tilespmem:$0x8800] =	vst v63  }
0x6c: {  	_ = 	snop  }
0x6d: {  	[tilespmem:s22], [sflag:$0x1] =	stream.indirect.gather [hbm4b:s4+s18], $0x80, s21, s18, $0xb8;
	[tilespmem:$0x8800] =	vst v63  }
0x6e: {  	_ =	swait.ge [sflag:s23], $0x4000  }
0x6f: {  	[sflag:s23] =	ssyncset.done $0x0  }
0x70: {  	[sflag:s23] =	ssyncadd.s32 $0xFFFFC000  }
0x71: {  	[hbm4b:s7+s2] =	stream.linear.scatter [tilespmem:s20], [sflag:$0x2], $0x4000, $0x38;
	[tilespmem:$0x8800] =	vst v63  }
0x72: {  	_ =	swait.ge [sflag:s16], $0x4000  }
0x73: {  	[sflag:s16] =	ssyncset.done $0x0  }
0x74: {  	[sflag:s16] =	ssyncadd.s32 $0xFFFFC000  }
0x75: {  	_ =	swait.ge [sflag:s23], $0x4000  }
0x76: {  	[sflag:s23] =	ssyncset.done $0x0  }
0x77: {  	[sflag:s23] =	ssyncadd.s32 $0xFFFFC000  }
0x78: {  	[hbm4b:s8+s2] =	stream.linear.scatter [tilespmem:s22], [sflag:$0x2], $0x4000, $0x38;
	[tilespmem:$0x8800] =	vst v63  }
0x79: {  	_ =	swait.ge [sflag:s16], $0x4000  }
0x7a: {  	[sflag:s16] =	ssyncset.done $0x0  }
0x7b: {  	[sflag:s16] =	ssyncadd.s32 $0xFFFFC000  }
0x7c: {  	[tilespmem:s20], [sflag:$0x1] =	stream.indirect.gather [hbm4b:s3+s18], $0x80, s24, s18, $0xb8;
	[tilespmem:$0x8800] =	vst v63  }
0x7d: {  	_ = 	snop  }
0x7e: {  	[tilespmem:s22], [sflag:$0x1] =	stream.indirect.gather [hbm4b:s4+s18], $0x80, s25, s18, $0xb8;
	[tilespmem:$0x8800] =	vst v63  }
0x7f: {  	_ =	swait.ge [sflag:s23], $0x4000  }
0x80: {  	[sflag:s23] =	ssyncset.done $0x0  }
0x81: {  	[sflag:s23] =	ssyncadd.s32 $0xFFFFC000  }
0x82: {  	[hbm4b:s9+s2] =	stream.linear.scatter [tilespmem:s20], [sflag:$0x2], $0x4000, $0x38;
	[tilespmem:$0x8800] =	vst v63  }
0x83: {  	_ =	swait.ge [sflag:s16], $0x4000  }
0x84: {  	[sflag:s16] =	ssyncset.done $0x0  }
0x85: {  	[sflag:s16] =	ssyncadd.s32 $0xFFFFC000  }
0x86: {  	_ =	swait.ge [sflag:s23], $0x4000  }
0x87: {  	[sflag:s23] =	ssyncset.done $0x0  }
0x88: {  	[sflag:s23] =	ssyncadd.s32 $0xFFFFC000  }
0x89: {  	[hbm4b:s10+s2] =	stream.linear.scatter [tilespmem:s22], [sflag:$0x2], $0x4000, $0x38;
	[tilespmem:$0x8800] =	vst v63  }
0x8a: {  	_ =	swait.ge [sflag:s16], $0x4000  }
0x8b: {  	[sflag:s16] =	ssyncset.done $0x0  }
0x8c: {  	[sflag:s16] =	ssyncadd.s32 $0xFFFFC000  }
0x8d: {  	[tilespmem:s20], [sflag:$0x1] =	stream.indirect.gather [hbm4b:s3+s18], $0x80, s26, s18, $0xb8;
	[tilespmem:$0x8800] =	vst v63  }
0x8e: {  	_ = 	snop  }
0x8f: {  	[tilespmem:s22], [sflag:$0x1] =	stream.indirect.gather [hbm4b:s4+s18], $0x80, s28, s18, $0xb8;
	[tilespmem:$0x8800] =	vst v63  }
0x90: {  	_ =	swait.ge [sflag:s23], $0x4000  }
0x91: {  	[sflag:s23] =	ssyncset.done $0x0  }
0x92: {  	[sflag:s23] =	ssyncadd.s32 $0xFFFFC000  }
0x93: {  	[hbm4b:s11+s2] =	stream.linear.scatter [tilespmem:s20], [sflag:$0x2], $0x4000, $0x38;
	[tilespmem:$0x8800] =	vst v63  }
0x94: {  	_ =	swait.ge [sflag:s16], $0x4000  }
0x95: {  	[sflag:s16] =	ssyncset.done $0x0  }
0x96: {  	[sflag:s16] =	ssyncadd.s32 $0xFFFFC000  }
0x97: {  	_ =	swait.ge [sflag:s23], $0x4000  }
0x98: {  	[sflag:s23] =	ssyncset.done $0x0  }
0x99: {  	[sflag:s23] =	ssyncadd.s32 $0xFFFFC000  }
0x9a: {  	[hbm4b:s12+s2] =	stream.linear.scatter [tilespmem:s22], [sflag:$0x2], $0x4000, $0x38;
	[tilespmem:$0x8800] =	vst v63  }
0x9b: {  	_ =	swait.ge [sflag:s16], $0x4000  }
0x9c: {  	[sflag:s16] =	ssyncset.done $0x0  }
0x9d: {  	[sflag:s16] =	ssyncadd.s32 $0xFFFFC000  }
0x9e: {  	[tilespmem:s20], [sflag:$0x1] =	stream.indirect.gather [hbm4b:s3+s18], $0x80, s29, s18, $0xb8;
	[tilespmem:$0x8800] =	vst v63  }
0x9f: {  	_ = 	snop  }
0xa0: {  	[tilespmem:s22], [sflag:$0x1] =	stream.indirect.gather [hbm4b:s4+s18], $0x80, s30, s18, $0xb8;
	[tilespmem:$0x8800] =	vst v63  }
0xa1: {  	_ =	swait.ge [sflag:s23], $0x4000  }
0xa2: {  	[sflag:s23] =	ssyncset.done $0x0  }
0xa3: {  	[sflag:s23] =	ssyncadd.s32 $0xFFFFC000  }
0xa4: {  	[hbm4b:s13+s2] =	stream.linear.scatter [tilespmem:s20], [sflag:$0x2], $0x4000, $0x38;
	[tilespmem:$0x8800] =	vst v63  }
0xa5: {  	_ =	swait.ge [sflag:s16], $0x4000  }
0xa6: {  	[sflag:s16] =	ssyncset.done $0x0  }
0xa7: {  	[sflag:s16] =	ssyncadd.s32 $0xFFFFC000  }
0xa8: {  	_ =	swait.ge [sflag:s23], $0x4000  }
0xa9: {  	p0 =	sne.s32 s15, $0x1;
	[sflag:s23] =	ssyncset.done $0x0  }
.Ltmp0:
0xaa: {  	[sflag:s23] =	ssyncadd.s32 $0xFFFFC000;
	(pc) =	sbr.rel @p0 .LBB2_1-.Ltmp0, $4  }
0xab: {  	[hbm4b:s14+s2] =	stream.linear.scatter [tilespmem:s22], [sflag:$0x2], $0x4000, $0x38;
	[tilespmem:$0x8800] =	vst v63  }
0xac: {  	_ =	swait.ge [sflag:s16], $0x4000  }
0xad: {  	[sflag:s16] =	ssyncset.done $0x0  }
0xae: {  	s15 =	sadd.s32 $0xFFFFFFFF, s15;
	[sflag:s16] =	ssyncadd.s32 $0xFFFFC000  }
0xaf: {  	_ =	sfence.sel $0x180000  }
0xb0: {  	[bflag:$0x0] =	sbarrier.arrive $0xFFFF  }
0xb1: {  	p0 =	sne.s32 s1, $0x0;
	_ =	strace $0x90000047  }
0xb2: {  	s0 =	sadd.s32 @!p0 $0x100000, s0;
	[bflag:$0x2] =	sbarrier.arrive $0xFFFF  }
0xb3: {  	[sflag:s0] =	ssyncadd.tile.s32 @!p0 $0x1;
	_ =	shalt  }
.Lfunc_end2:
_tile_overlayer_lowered:
.L_overlay_start_2:
0xb4: {  	(tag) =	ssettag $0x2  }
0xb5: {  	s0 =	rddreg [dreg:$0x0];
	s2 =	stileid.u32  }
0xb6: {  	s1 =	rddreg [dreg:$0x1];
	p0 =	sne.s32 s2, $0x0  }
0xb7: {  	s3 =	rddreg [dreg:$0x2];
	[bflag:$0x3] =	sbarrier.arrive $0xFFFF;
	s2 =	simm.s32 @!p0 $0x1C02  }
0xb8: {  	[timem:s3], [sflag:s2] =	dma.local @!p0 [hbm:s0], s1  }
0xb9: {  	s0 =	simm.s32 @!p0 $0x2  }
0xba: {  	_ =	swait.ge @!p0 [sflag:s0], s1  }
0xbb: {  	s1 =	ssub.s32 @!p0 $0x0, s1;
	[sflag:s0] =	ssyncset.done @!p0 $0x0  }
0xbc: {  	[sflag:s0] =	ssyncadd.s32 @!p0 s1  }
0xbd: {  	[bflag:$0x3] =	sbarrier.arrive $0xFFFF  }
0xbe: {  	_ =	shalt  }

</sc_bundles>
